<compile_context>
chip_gen: v7x
topology: tpu7x:2x2x1
jax: 0.10.2.dev20260603
libtpu: 0.0.44.dev20260713+nightly
codegen_flags: <defaults>
</compile_context>

<pallas_src>
import jax
import jax.numpy as jnp
from jax import lax
from jax.experimental import pallas as pl
from jax.experimental.pallas import tpu as pltpu
from jax.experimental.pallas import tpu_sc as plsc

B = 4096
L = 200
N = B * L
EMB = 32
CU = 16
OUT_W = 2 * EMB + CU
NW = 32
PER_W = N // NW
CHUNK = 128
N_CH = PER_W // CHUNK
T = N_CH // 4
PACK_W = 3 * CHUNK


def _sc_body(pack_h, embi4, embc4, wg_h, wb_h, out,
             i0, i1, i2, i3, ri0, rc0, asm0, ri1, rc1, asm1,
             wg_v, wb_v, is0, is1, is2, is3, gs0, gs1, ws0, ws1):
    c = lax.axis_index("c")
    s = lax.axis_index("s")
    wid = s * 2 + c
    cq0 = wid * N_CH

    pltpu.sync_copy(wg_h, wg_v)
    pltpu.sync_copy(wb_h, wb_v)
    wg = wg_v[...]
    wb = wb_v[...]

    islots = (i0, i1, i2, i3)
    isems = (is0, is1, is2, is3)
    rslots = ((ri0, rc0, asm0, gs0, ws0), (ri1, rc1, asm1, gs1, ws1))

    def fetch_idx(cq, j):
        pltpu.async_copy(pack_h.at[pl.ds(cq * PACK_W, PACK_W)],
                         islots[j], isems[j])

    def fire(j, r):
        (ri, rc, asm, gsem, wsem) = rslots[r]
        I = islots[j]
        pltpu.make_async_copy(pack_h.at[pl.ds(0, PACK_W)], I,
                              isems[j]).wait()
        pltpu.async_copy(embi4.at[I.at[pl.ds(0, CHUNK)]], ri, gsem)
        pltpu.async_copy(embc4.at[I.at[pl.ds(CHUNK, CHUNK)]], rc, gsem)

    def process(cq, j, r, drain_pred):
        (ri, rc, asm, gsem, wsem) = rslots[r]
        I = islots[j]
        base = cq * CHUNK
        pltpu.make_async_copy(embi4.at[pl.ds(0, CHUNK)], ri, gsem).wait()
        pltpu.make_async_copy(embc4.at[pl.ds(0, CHUNK)], rc, gsem).wait()

        def drain_w():
            pltpu.make_async_copy(asm, out.at[pl.ds(base, CHUNK)],
                                  wsem).wait()

        if drain_pred is True:
            drain_w()
        else:
            pl.when(drain_pred)(drain_w)

        def prow(n, cc):
            asm[n, pl.ds(0, 16)] = ri[n, pl.ds(0, 16)]
            asm[n, pl.ds(16, 16)] = ri[n, pl.ds(16, 16)]
            asm[n, pl.ds(32, 16)] = rc[n, pl.ds(0, 16)]
            asm[n, pl.ds(48, 16)] = rc[n, pl.ds(16, 16)]
            row = jnp.full((16,), n, jnp.int32)
            p = plsc.bitcast(plsc.load_gather(I, [row + 2 * CHUNK]),
                             jnp.float32)
            asm[n, pl.ds(64, 16)] = p * wg + wb
            return cc

        lax.fori_loop(0, CHUNK, prow, 0, unroll=4)
        pltpu.async_copy(asm, out.at[pl.ds(base, CHUNK)], wsem)

    pltpu.sync_copy(pack_h.at[pl.ds(cq0 * PACK_W, PACK_W)], i0)
    pltpu.sync_copy(pack_h.at[pl.ds((cq0 + 1) * PACK_W, PACK_W)], i1)
    pltpu.async_copy(embi4.at[i0.at[pl.ds(0, CHUNK)]], ri0, gs0)
    pltpu.async_copy(embc4.at[i0.at[pl.ds(CHUNK, CHUNK)]], rc0, gs0)
    pltpu.async_copy(embi4.at[i1.at[pl.ds(0, CHUNK)]], ri1, gs1)
    pltpu.async_copy(embc4.at[i1.at[pl.ds(CHUNK, CHUNK)]], rc1, gs1)
    fetch_idx(cq0 + 2, 2)
    fetch_idx(cq0 + 3, 3)

    def pair_body(t, carry):
        c0 = cq0 + 4 * t
        more = t < T - 1
        not_first = t > 0

        process(c0, 0, 0, not_first)

        @pl.when(more)
        def _():
            fetch_idx(c0 + 4, 0)
        fire(2, 0)

        process(c0 + 1, 1, 1, not_first)

        @pl.when(more)
        def _():
            fetch_idx(c0 + 5, 1)
        fire(3, 1)

        process(c0 + 2, 2, 0, True)

        @pl.when(more)
        def _():
            fetch_idx(c0 + 6, 2)
            fire(0, 0)

        process(c0 + 3, 3, 1, True)

        @pl.when(more)
        def _():
            fetch_idx(c0 + 7, 3)
            fire(1, 1)
        return carry

    lax.fori_loop(0, T, pair_body, 0)

    pltpu.make_async_copy(asm0, out.at[pl.ds(0, CHUNK)], ws0).wait()
    pltpu.make_async_copy(asm1, out.at[pl.ds(0, CHUNK)], ws1).wait()


@jax.jit
def _run(pack, embi4, embc4, wg, wb):
    mesh = plsc.VectorSubcoreMesh(core_axis_name="c", subcore_axis_name="s")
    return pl.kernel(
        _sc_body,
        out_type=jax.ShapeDtypeStruct((N, OUT_W), jnp.float32),
        mesh=mesh,
        compiler_params=pltpu.CompilerParams(needs_layout_passes=False),
        scratch_types=[
            pltpu.VMEM((PACK_W,), jnp.int32),
            pltpu.VMEM((PACK_W,), jnp.int32),
            pltpu.VMEM((PACK_W,), jnp.int32),
            pltpu.VMEM((PACK_W,), jnp.int32),
            pltpu.VMEM((CHUNK, 128), jnp.float32),
            pltpu.VMEM((CHUNK, 128), jnp.float32),
            pltpu.VMEM((CHUNK, OUT_W), jnp.float32),
            pltpu.VMEM((CHUNK, 128), jnp.float32),
            pltpu.VMEM((CHUNK, 128), jnp.float32),
            pltpu.VMEM((CHUNK, OUT_W), jnp.float32),
            pltpu.VMEM((CU,), jnp.float32),
            pltpu.VMEM((CU,), jnp.float32),
            pltpu.SemaphoreType.DMA,
            pltpu.SemaphoreType.DMA,
            pltpu.SemaphoreType.DMA,
            pltpu.SemaphoreType.DMA,
            pltpu.SemaphoreType.DMA,
            pltpu.SemaphoreType.DMA,
            pltpu.SemaphoreType.DMA,
            pltpu.SemaphoreType.DMA,
        ],
    )(pack, embi4, embc4, wg, wb)


def kernel(item_hist, cate_hist, price_hist, emb_item, emb_cate, W_price,
           bn_gamma, bn_beta, bn_mean, bn_var):
    g = bn_gamma / jnp.sqrt(bn_var + 1e-3)
    wg = (W_price[0] * g).astype(jnp.float32)
    wb = (W_price[0] * (bn_beta - bn_mean * g)).astype(jnp.float32)

    item_flat = item_hist.reshape(N)
    cate_flat = cate_hist.reshape(N)
    price_flat = price_hist.reshape(N)
    price_bits = lax.bitcast_convert_type(price_flat, jnp.int32)
    nch = N // CHUNK
    pack = jnp.stack(
        [item_flat.reshape(nch, CHUNK),
         cate_flat.reshape(nch, CHUNK),
         price_bits.reshape(nch, CHUNK)],
        axis=1).reshape(-1)

    proj = jnp.eye(EMB, 128, dtype=jnp.float32)
    embi4 = emb_item @ proj
    embc4 = emb_cate @ proj

    out = _run(pack, embi4, embc4, wg, wb)
    return out.reshape(B, L, OUT_W)

# --- scband reference (transcript-rebuilt; emitter-appended) ---
"""Pipeline reference for scband-base-seq-model-82643760709694 (READ-ONLY COPY).

The authoritative reference and input builder live on the scoring server;
editing this copy changes nothing except your own understanding.
"""

import jax, jax.numpy as jnp
import numpy as np

B = 4096
L = 200
ITEM_VOCAB = 1000001
CATE_VOCAB = 100001
EMB_DIM = 32
CONTI_UNITS = 16
BN_EPS = 1e-3


def setup_inputs(seed: int = 0) -> dict:
    key = jax.random.key(seed)
    ks = jax.random.split(key, 6)
    item_hist = jax.random.randint(ks[0], (B, L), 0, 1000000, dtype=jnp.int32)
    cate_hist = jax.random.randint(ks[1], (B, L), 0, 100000, dtype=jnp.int32)
    price_hist = jax.random.normal(ks[2], (B, L), dtype=jnp.float32)
    # learned parameters
    emb_item = jax.random.normal(ks[3], (ITEM_VOCAB, EMB_DIM), dtype=jnp.float32) * 0.05
    emb_cate = jax.random.normal(ks[4], (CATE_VOCAB, EMB_DIM), dtype=jnp.float32) * 0.05
    W_price = jax.random.normal(ks[5], (1, CONTI_UNITS), dtype=jnp.float32) * 0.5
    bn_gamma = jnp.ones((1,), dtype=jnp.float32)
    bn_beta = jnp.zeros((1,), dtype=jnp.float32)
    bn_mean = jnp.zeros((1,), dtype=jnp.float32)
    bn_var = jnp.ones((1,), dtype=jnp.float32)
    return {
        "item_hist": item_hist,
        "cate_hist": cate_hist,
        "price_hist": price_hist,
        "emb_item": emb_item,
        "emb_cate": emb_cate,
        "W_price": W_price,
        "bn_gamma": bn_gamma,
        "bn_beta": bn_beta,
        "bn_mean": bn_mean,
        "bn_var": bn_var,
    }


def reference(item_hist, cate_hist, price_hist, emb_item, emb_cate, W_price,
              bn_gamma, bn_beta, bn_mean, bn_var):
    # categorical list embeddings (gather = SparseCore-friendly)
    e_item = jnp.take(emb_item, item_hist, axis=0)            # [B, L, 32]
    e_cate = jnp.take(emb_cate, cate_hist, axis=0)            # [B, L, 32]
    # continuous list path: Reshape -> BatchNorm (inference) -> Dense(no bias)
    x = price_hist.reshape(B, L, 1)
    x = (x - bn_mean) / jnp.sqrt(bn_var + BN_EPS) * bn_gamma + bn_beta
    d_price = jnp.einsum('blc,cu->blu', x, W_price)           # [B, L, 16]
    d_price = d_price.reshape(B, L, CONTI_UNITS)
    # call() appends categorical embeddings first, then continuous, concat on last axis
    return jnp.concatenate([e_item, e_cate, d_price], axis=-1)  # [B, L, 80]

if __name__ == "__main__":
    import jax
    _d = setup_inputs()
    print(jax.jit(kernel)(*tuple(_d.values())))

</pallas_src>

<mosaic_0001>
#map = affine_map<(d0, d1) -> (0)>
#map1 = affine_map<(d0, d1) -> (0, 0)>
module attributes {stable_mosaic.version = 14 : i64} {
  func.func @_sc_body(%arg0: i32, %arg1: i32, %arg2: memref<2457600xi32, #tpu.memory_space<hbm>>, %arg3: memref<1000001x128xf32, #tpu.memory_space<hbm>>, %arg4: memref<100001x128xf32, #tpu.memory_space<hbm>>, %arg5: memref<16xf32, #tpu.memory_space<hbm>>, %arg6: memref<16xf32, #tpu.memory_space<hbm>>, %arg7: memref<819200x80xf32, #tpu.memory_space<hbm>>, %arg8: memref<384xi32, #tpu.memory_space<vmem>>, %arg9: memref<384xi32, #tpu.memory_space<vmem>>, %arg10: memref<384xi32, #tpu.memory_space<vmem>>, %arg11: memref<384xi32, #tpu.memory_space<vmem>>, %arg12: memref<128x128xf32, #tpu.memory_space<vmem>>, %arg13: memref<128x128xf32, #tpu.memory_space<vmem>>, %arg14: memref<128x80xf32, #tpu.memory_space<vmem>>, %arg15: memref<128x128xf32, #tpu.memory_space<vmem>>, %arg16: memref<128x128xf32, #tpu.memory_space<vmem>>, %arg17: memref<128x80xf32, #tpu.memory_space<vmem>>, %arg18: memref<16xf32, #tpu.memory_space<vmem>>, %arg19: memref<16xf32, #tpu.memory_space<vmem>>, %arg20: memref<!tpu.dma_semaphore, #tpu.memory_space<semaphore_mem>>, %arg21: memref<!tpu.dma_semaphore, #tpu.memory_space<semaphore_mem>>, %arg22: memref<!tpu.dma_semaphore, #tpu.memory_space<semaphore_mem>>, %arg23: memref<!tpu.dma_semaphore, #tpu.memory_space<semaphore_mem>>, %arg24: memref<!tpu.dma_semaphore, #tpu.memory_space<semaphore_mem>>, %arg25: memref<!tpu.dma_semaphore, #tpu.memory_space<semaphore_mem>>, %arg26: memref<!tpu.dma_semaphore, #tpu.memory_space<semaphore_mem>>, %arg27: memref<!tpu.dma_semaphore, #tpu.memory_space<semaphore_mem>>) attributes {dimension_semantics = [#tpu.dimension_semantics<core_parallel>, #tpu.dimension_semantics<subcore_parallel>], iteration_bounds = array<i64: 2, 16>, scalar_prefetch = 0 : i64, scratch_operands = 20 : i64, tpu.core_type = #tpu.core_type<sc_vector_subcore>, window_params = [{transform_indices = #map}, {transform_indices = #map1}, {transform_indices = #map1}, {transform_indices = #map}, {transform_indices = #map}, {transform_indices = #map1}]} {
    %mul3A = arith.constant 2 : i32
    %mul3A_0 = arith.muli %arg1, %mul3A : i32
    %add3A = arith.addi %mul3A_0, %arg0 : i32
    %mul3A_1 = arith.constant 200 : i32
    %mul3A_2 = arith.muli %add3A, %mul3A_1 : i32
    "tpu.region"() ({
      %run_scoped3A = tpu.sem_alloc : memref<!tpu.dma_semaphore, #tpu.memory_space<semaphore_mem>>
      tpu.enqueue_dma source(%arg5 : memref<16xf32, #tpu.memory_space<hbm>>) target(%arg18 : memref<16xf32, #tpu.memory_space<vmem>>) target_semaphore(%run_scoped3A : memref<!tpu.dma_semaphore, #tpu.memory_space<semaphore_mem>>)
      tpu.wait_dma2 semaphore(%run_scoped3A : memref<!tpu.dma_semaphore, #tpu.memory_space<semaphore_mem>>) src(%arg5 : memref<16xf32, #tpu.memory_space<hbm>>) dst(%arg18 : memref<16xf32, #tpu.memory_space<vmem>>)
      tpu.yield
    }) : () -> ()
    "tpu.region"() ({
      %run_scoped3A = tpu.sem_alloc : memref<!tpu.dma_semaphore, #tpu.memory_space<semaphore_mem>>
      tpu.enqueue_dma source(%arg6 : memref<16xf32, #tpu.memory_space<hbm>>) target(%arg19 : memref<16xf32, #tpu.memory_space<vmem>>) target_semaphore(%run_scoped3A : memref<!tpu.dma_semaphore, #tpu.memory_space<semaphore_mem>>)
      tpu.wait_dma2 semaphore(%run_scoped3A : memref<!tpu.dma_semaphore, #tpu.memory_space<semaphore_mem>>) src(%arg6 : memref<16xf32, #tpu.memory_space<hbm>>) dst(%arg19 : memref<16xf32, #tpu.memory_space<vmem>>)
      tpu.yield
    }) : () -> ()
    %get3A = arith.constant 0 : index
    %get3A_3 = tpu.vector_load %arg18[%get3A] {strides = array<i32>} : memref<16xf32, #tpu.memory_space<vmem>>, vector<16xf32>,
    %get3A_4 = arith.constant 0 : index
    %get3A_5 = tpu.vector_load %arg19[%get3A_4] {strides = array<i32>} : memref<16xf32, #tpu.memory_space<vmem>>, vector<16xf32>,
    %mul3A_6 = arith.constant 384 : i32
    %mul3A_7 = arith.muli %mul3A_2, %mul3A_6 : i32
    "tpu.region"() ({
      %run_scoped3A = tpu.sem_alloc : memref<!tpu.dma_semaphore, #tpu.memory_space<semaphore_mem>>
      %dma_start3A_59 = tpu.memref_slice %arg2[%mul3A_7] : memref<2457600xi32, #tpu.memory_space<hbm>> -> memref<384xi32, #tpu.memory_space<hbm>>
      %dma_start3A_60 = tpu.memref_slice %arg2[%mul3A_7] : memref<2457600xi32, #tpu.memory_space<hbm>> -> memref<384xi32, #tpu.memory_space<hbm>>
      tpu.enqueue_dma source(%dma_start3A_60 : memref<384xi32, #tpu.memory_space<hbm>>) target(%arg8 : memref<384xi32, #tpu.memory_space<vmem>>) target_semaphore(%run_scoped3A : memref<!tpu.dma_semaphore, #tpu.memory_space<semaphore_mem>>)
      %dma_wait3A_61 = tpu.memref_slice %arg2[%mul3A_7] : memref<2457600xi32, #tpu.memory_space<hbm>> -> memref<384xi32, #tpu.memory_space<hbm>>
      %dma_wait3A_62 = tpu.memref_slice %arg2[%mul3A_7] : memref<2457600xi32, #tpu.memory_space<hbm>> -> memref<384xi32, #tpu.memory_space<hbm>>
      tpu.wait_dma2 semaphore(%run_scoped3A : memref<!tpu.dma_semaphore, #tpu.memory_space<semaphore_mem>>) src(%dma_wait3A_62 : memref<384xi32, #tpu.memory_space<hbm>>) dst(%arg8 : memref<384xi32, #tpu.memory_space<vmem>>)
      tpu.yield
    }) : () -> ()
    %add3A_8 = arith.constant 1 : i32
    %add3A_9 = arith.addi %mul3A_2, %add3A_8 : i32
    %mul3A_10 = arith.constant 384 : i32
    %mul3A_11 = arith.muli %add3A_9, %mul3A_10 : i32
    "tpu.region"() ({
      %run_scoped3A = tpu.sem_alloc : memref<!tpu.dma_semaphore, #tpu.memory_space<semaphore_mem>>
      %dma_start3A_59 = tpu.memref_slice %arg2[%mul3A_11] : memref<2457600xi32, #tpu.memory_space<hbm>> -> memref<384xi32, #tpu.memory_space<hbm>>
      %dma_start3A_60 = tpu.memref_slice %arg2[%mul3A_11] : memref<2457600xi32, #tpu.memory_space<hbm>> -> memref<384xi32, #tpu.memory_space<hbm>>
      tpu.enqueue_dma source(%dma_start3A_60 : memref<384xi32, #tpu.memory_space<hbm>>) target(%arg9 : memref<384xi32, #tpu.memory_space<vmem>>) target_semaphore(%run_scoped3A : memref<!tpu.dma_semaphore, #tpu.memory_space<semaphore_mem>>)
      %dma_wait3A_61 = tpu.memref_slice %arg2[%mul3A_11] : memref<2457600xi32, #tpu.memory_space<hbm>> -> memref<384xi32, #tpu.memory_space<hbm>>
      %dma_wait3A_62 = tpu.memref_slice %arg2[%mul3A_11] : memref<2457600xi32, #tpu.memory_space<hbm>> -> memref<384xi32, #tpu.memory_space<hbm>>
      tpu.wait_dma2 semaphore(%run_scoped3A : memref<!tpu.dma_semaphore, #tpu.memory_space<semaphore_mem>>) src(%dma_wait3A_62 : memref<384xi32, #tpu.memory_space<hbm>>) dst(%arg9 : memref<384xi32, #tpu.memory_space<vmem>>)
      tpu.yield
    }) : () -> ()
    %dma_start3A = arith.constant 0 : i32
    %dma_start3A_12 = tpu.memref_slice %arg8[%dma_start3A] : memref<384xi32, #tpu.memory_space<vmem>> -> memref<128xi32, #tpu.memory_space<vmem>>
    %dma_start3A_13 = arith.constant 0 : i32
    %dma_start3A_14 = arith.constant 0 : i32
    %dma_start3A_15 = tpu.memref_slice %arg3[%dma_start3A_13, %dma_start3A_14] : memref<1000001x128xf32, #tpu.memory_space<hbm>> -> memref<1000001x128xf32, #tpu.memory_space<hbm>>
    tpu.enqueue_indirect_dma source(%dma_start3A_15 : memref<1000001x128xf32, #tpu.memory_space<hbm>>) target(%arg12 : memref<128x128xf32, #tpu.memory_space<vmem>>) offsets(%dma_start3A_12 : memref<128xi32, #tpu.memory_space<vmem>>) semaphore(%arg24 : memref<!tpu.dma_semaphore, #tpu.memory_space<semaphore_mem>>)
    %dma_start3A_16 = arith.constant 128 : i32
    %dma_start3A_17 = tpu.memref_slice %arg8[%dma_start3A_16] : memref<384xi32, #tpu.memory_space<vmem>> -> memref<128xi32, #tpu.memory_space<vmem>>
    %dma_start3A_18 = arith.constant 0 : i32
    %dma_start3A_19 = arith.constant 0 : i32
    %dma_start3A_20 = tpu.memref_slice %arg4[%dma_start3A_18, %dma_start3A_19] : memref<100001x128xf32, #tpu.memory_space<hbm>> -> memref<100001x128xf32, #tpu.memory_space<hbm>>
    tpu.enqueue_indirect_dma source(%dma_start3A_20 : memref<100001x128xf32, #tpu.memory_space<hbm>>) target(%arg13 : memref<128x128xf32, #tpu.memory_space<vmem>>) offsets(%dma_start3A_17 : memref<128xi32, #tpu.memory_space<vmem>>) semaphore(%arg24 : memref<!tpu.dma_semaphore, #tpu.memory_space<semaphore_mem>>)
    %dma_start3A_21 = arith.constant 0 : i32
    %dma_start3A_22 = tpu.memref_slice %arg9[%dma_start3A_21] : memref<384xi32, #tpu.memory_space<vmem>> -> memref<128xi32, #tpu.memory_space<vmem>>
    %dma_start3A_23 = arith.constant 0 : i32
    %dma_start3A_24 = arith.constant 0 : i32
    %dma_start3A_25 = tpu.memref_slice %arg3[%dma_start3A_23, %dma_start3A_24] : memref<1000001x128xf32, #tpu.memory_space<hbm>> -> memref<1000001x128xf32, #tpu.memory_space<hbm>>
    tpu.enqueue_indirect_dma source(%dma_start3A_25 : memref<1000001x128xf32, #tpu.memory_space<hbm>>) target(%arg15 : memref<128x128xf32, #tpu.memory_space<vmem>>) offsets(%dma_start3A_22 : memref<128xi32, #tpu.memory_space<vmem>>) semaphore(%arg25 : memref<!tpu.dma_semaphore, #tpu.memory_space<semaphore_mem>>)
    %dma_start3A_26 = arith.constant 128 : i32
    %dma_start3A_27 = tpu.memref_slice %arg9[%dma_start3A_26] : memref<384xi32, #tpu.memory_space<vmem>> -> memref<128xi32, #tpu.memory_space<vmem>>
    %dma_start3A_28 = arith.constant 0 : i32
    %dma_start3A_29 = arith.constant 0 : i32
    %dma_start3A_30 = tpu.memref_slice %arg4[%dma_start3A_28, %dma_start3A_29] : memref<100001x128xf32, #tpu.memory_space<hbm>> -> memref<100001x128xf32, #tpu.memory_space<hbm>>
    tpu.enqueue_indirect_dma source(%dma_start3A_30 : memref<100001x128xf32, #tpu.memory_space<hbm>>) target(%arg16 : memref<128x128xf32, #tpu.memory_space<vmem>>) offsets(%dma_start3A_27 : memref<128xi32, #tpu.memory_space<vmem>>) semaphore(%arg25 : memref<!tpu.dma_semaphore, #tpu.memory_space<semaphore_mem>>)
    %add3A_31 = arith.constant 2 : i32
    %add3A_32 = arith.addi %mul3A_2, %add3A_31 : i32
    %mul3A_33 = arith.constant 384 : i32
    %mul3A_34 = arith.muli %add3A_32, %mul3A_33 : i32
    %dma_start3A_35 = tpu.memref_slice %arg2[%mul3A_34] : memref<2457600xi32, #tpu.memory_space<hbm>> -> memref<384xi32, #tpu.memory_space<hbm>>
    %dma_start3A_36 = tpu.memref_slice %arg2[%mul3A_34] : memref<2457600xi32, #tpu.memory_space<hbm>> -> memref<384xi32, #tpu.memory_space<hbm>>
    tpu.enqueue_dma source(%dma_start3A_36 : memref<384xi32, #tpu.memory_space<hbm>>) target(%arg10 : memref<384xi32, #tpu.memory_space<vmem>>) target_semaphore(%arg22 : memref<!tpu.dma_semaphore, #tpu.memory_space<semaphore_mem>>)
    %add3A_37 = arith.constant 3 : i32
    %add3A_38 = arith.addi %mul3A_2, %add3A_37 : i32
    %mul3A_39 = arith.constant 384 : i32
    %mul3A_40 = arith.muli %add3A_38, %mul3A_39 : i32
    %dma_start3A_41 = tpu.memref_slice %arg2[%mul3A_40] : memref<2457600xi32, #tpu.memory_space<hbm>> -> memref<384xi32, #tpu.memory_space<hbm>>
    %dma_start3A_42 = tpu.memref_slice %arg2[%mul3A_40] : memref<2457600xi32, #tpu.memory_space<hbm>> -> memref<384xi32, #tpu.memory_space<hbm>>
    tpu.enqueue_dma source(%dma_start3A_42 : memref<384xi32, #tpu.memory_space<hbm>>) target(%arg11 : memref<384xi32, #tpu.memory_space<vmem>>) target_semaphore(%arg23 : memref<!tpu.dma_semaphore, #tpu.memory_space<semaphore_mem>>)
    %scan3A = arith.constant 0 : i32
    %scan3A_43 = arith.constant 0 : i32
    %scan3A_44 = arith.constant 50 : i32
    %scan3A_45 = arith.addi %scan3A_43, %scan3A_44 : i32
    %scan3A_46 = arith.constant 1 : i32
    scf.for %scan3A_59 = %scan3A_43 to %scan3A_45 step %scan3A_46  : i32 {
      %mul3A_60 = arith.constant 4 : i32
      %mul3A_61 = arith.muli %mul3A_60, %scan3A_59 : i32
      %add3A_62 = arith.addi %mul3A_2, %mul3A_61 : i32
      %lt3A = arith.constant 49 : i32
      %lt3A_63 = arith.cmpi slt, %scan3A_59, %lt3A : i32
      %gt3A = arith.constant 0 : i32
      %gt3A_64 = arith.cmpi sgt, %scan3A_59, %gt3A : i32
      %mul3A_65 = arith.constant 128 : i32
      %mul3A_66 = arith.muli %add3A_62, %mul3A_65 : i32
      %dma_wait3A_67 = arith.constant 0 : i32
      %dma_wait3A_68 = arith.constant 0 : i32
      %dma_wait3A_69 = tpu.memref_slice %arg3[%dma_wait3A_67, %dma_wait3A_68] : memref<1000001x128xf32, #tpu.memory_space<hbm>> -> memref<128x128xf32, #tpu.memory_space<hbm>>
      %dma_wait3A_70 = arith.constant 0 : i32
      %dma_wait3A_71 = arith.constant 0 : i32
      %dma_wait3A_72 = tpu.memref_slice %arg3[%dma_wait3A_70, %dma_wait3A_71] : memref<1000001x128xf32, #tpu.memory_space<hbm>> -> memref<128x128xf32, #tpu.memory_space<hbm>>
      tpu.wait_dma2 semaphore(%arg24 : memref<!tpu.dma_semaphore, #tpu.memory_space<semaphore_mem>>) src(%dma_wait3A_72 : memref<128x128xf32, #tpu.memory_space<hbm>>) dst(%arg12 : memref<128x128xf32, #tpu.memory_space<vmem>>)
      %dma_wait3A_73 = arith.constant 0 : i32
      %dma_wait3A_74 = arith.constant 0 : i32
      %dma_wait3A_75 = tpu.memref_slice %arg4[%dma_wait3A_73, %dma_wait3A_74] : memref<100001x128xf32, #tpu.memory_space<hbm>> -> memref<128x128xf32, #tpu.memory_space<hbm>>
      %dma_wait3A_76 = arith.constant 0 : i32
      %dma_wait3A_77 = arith.constant 0 : i32
      %dma_wait3A_78 = tpu.memref_slice %arg4[%dma_wait3A_76, %dma_wait3A_77] : memref<100001x128xf32, #tpu.memory_space<hbm>> -> memref<128x128xf32, #tpu.memory_space<hbm>>
      tpu.wait_dma2 semaphore(%arg24 : memref<!tpu.dma_semaphore, #tpu.memory_space<semaphore_mem>>) src(%dma_wait3A_78 : memref<128x128xf32, #tpu.memory_space<hbm>>) dst(%arg13 : memref<128x128xf32, #tpu.memory_space<vmem>>)
      %convert_element_type3A = arith.extui %gt3A_64 : i1 to i32
      %cond3A = arith.constant 0 : i32
      %cond3A_79 = arith.cmpi ne, %convert_element_type3A, %cond3A : i32
      scf.if %cond3A_79 {
        %dma_wait3A_219 = arith.constant 0 : i32
        %dma_wait3A_220 = tpu.memref_slice %arg7[%mul3A_66, %dma_wait3A_219] : memref<819200x80xf32, #tpu.memory_space<hbm>> -> memref<128x80xf32, #tpu.memory_space<hbm>>
        %dma_wait3A_221 = arith.constant 0 : i32
        %dma_wait3A_222 = tpu.memref_slice %arg7[%mul3A_66, %dma_wait3A_221] : memref<819200x80xf32, #tpu.memory_space<hbm>> -> memref<128x80xf32, #tpu.memory_space<hbm>>
        tpu.wait_dma2 semaphore(%arg26 : memref<!tpu.dma_semaphore, #tpu.memory_space<semaphore_mem>>) src(%arg14 : memref<128x80xf32, #tpu.memory_space<vmem>>) dst(%dma_wait3A_222 : memref<128x80xf32, #tpu.memory_space<hbm>>)
      } else {
      }
      %scan3A_80 = arith.constant 0 : i32
      %scan3A_81 = arith.constant 0 : i32
      %scan3A_82 = arith.constant 128 : i32
      %scan3A_83 = arith.addi %scan3A_81, %scan3A_82 : i32
      %scan3A_84 = arith.constant 4 : i32
      scf.for %scan3A_219 = %scan3A_81 to %scan3A_83 step %scan3A_84  : i32 {
        %get3A_220 = arith.index_cast %scan3A_219 : i32 to index
        %get3A_221 = arith.constant 0 : index
        %get3A_222 = tpu.vector_load %arg12[%get3A_220, %get3A_221] {strides = array<i32>} : memref<128x128xf32, #tpu.memory_space<vmem>>, vector<16xf32>,
        %swap3A = arith.index_cast %scan3A_219 : i32 to index
        %swap3A_223 = arith.constant 0 : index
        %swap3A_224 = tpu.vector_load %arg14[%swap3A, %swap3A_223] {strides = array<i32>} : memref<128x80xf32, #tpu.memory_space<vmem>>, vector<16xf32>,
        tpu.vector_store %arg14[%swap3A, %swap3A_223], %get3A_222 {strides = array<i32>} : memref<128x80xf32, #tpu.memory_space<vmem>>, vector<16xf32>,
        %get3A_225 = arith.index_cast %scan3A_219 : i32 to index
        %get3A_226 = arith.constant 16 : index
        %get3A_227 = tpu.vector_load %arg12[%get3A_225, %get3A_226] {strides = array<i32>} : memref<128x128xf32, #tpu.memory_space<vmem>>, vector<16xf32>,
        %swap3A_228 = arith.index_cast %scan3A_219 : i32 to index
        %swap3A_229 = arith.constant 16 : index
        %swap3A_230 = tpu.vector_load %arg14[%swap3A_228, %swap3A_229] {strides = array<i32>} : memref<128x80xf32, #tpu.memory_space<vmem>>, vector<16xf32>,
        tpu.vector_store %arg14[%swap3A_228, %swap3A_229], %get3A_227 {strides = array<i32>} : memref<128x80xf32, #tpu.memory_space<vmem>>, vector<16xf32>,
        %get3A_231 = arith.index_cast %scan3A_219 : i32 to index
        %get3A_232 = arith.constant 0 : index
        %get3A_233 = tpu.vector_load %arg13[%get3A_231, %get3A_232] {strides = array<i32>} : memref<128x128xf32, #tpu.memory_space<vmem>>, vector<16xf32>,
        %swap3A_234 = arith.index_cast %scan3A_219 : i32 to index
        %swap3A_235 = arith.constant 32 : index
        %swap3A_236 = tpu.vector_load %arg14[%swap3A_234, %swap3A_235] {strides = array<i32>} : memref<128x80xf32, #tpu.memory_space<vmem>>, vector<16xf32>,
        tpu.vector_store %arg14[%swap3A_234, %swap3A_235], %get3A_233 {strides = array<i32>} : memref<128x80xf32, #tpu.memory_space<vmem>>, vector<16xf32>,
        %get3A_237 = arith.index_cast %scan3A_219 : i32 to index
        %get3A_238 = arith.constant 16 : index
        %get3A_239 = tpu.vector_load %arg13[%get3A_237, %get3A_238] {strides = array<i32>} : memref<128x128xf32, #tpu.memory_space<vmem>>, vector<16xf32>,
        %swap3A_240 = arith.index_cast %scan3A_219 : i32 to index
        %swap3A_241 = arith.constant 48 : index
        %swap3A_242 = tpu.vector_load %arg14[%swap3A_240, %swap3A_241] {strides = array<i32>} : memref<128x80xf32, #tpu.memory_space<vmem>>, vector<16xf32>,
        tpu.vector_store %arg14[%swap3A_240, %swap3A_241], %get3A_239 {strides = array<i32>} : memref<128x80xf32, #tpu.memory_space<vmem>>, vector<16xf32>,
        %broadcast_in_dim3A = vector.broadcast %scan3A_219 : i32 to vector<16xi32>
        %add3A_243 = arith.constant 256 : i32
        %add3A_244 = vector.broadcast %add3A_243 : i32 to vector<16xi32>
        %add3A_245 = arith.addi %broadcast_in_dim3A, %add3A_244 : vector<16xi32>
        %gather3A = tpu.vector_load_idx %arg8[%add3A_245] : memref<384xi32, #tpu.memory_space<vmem>>[vector<16xi32>], vector<16xi32>,
        %bitcast3A = vector.bitcast %gather3A : vector<16xi32> to vector<16xf32>
        %mul3A_246 = arith.mulf %bitcast3A, %get3A_3 : vector<16xf32>
        %add3A_247 = arith.addf %mul3A_246, %get3A_5 : vector<16xf32>
        %swap3A_248 = arith.index_cast %scan3A_219 : i32 to index
        %swap3A_249 = arith.constant 64 : index
        %swap3A_250 = tpu.vector_load %arg14[%swap3A_248, %swap3A_249] {strides = array<i32>} : memref<128x80xf32, #tpu.memory_space<vmem>>, vector<16xf32>,
        tpu.vector_store %arg14[%swap3A_248, %swap3A_249], %add3A_247 {strides = array<i32>} : memref<128x80xf32, #tpu.memory_space<vmem>>, vector<16xf32>,
        %scan3A_251 = arith.constant 1 : i32
        %scan3A_252 = arith.addi %scan3A_219, %scan3A_251 : i32
        %get3A_253 = arith.index_cast %scan3A_252 : i32 to index
        %get3A_254 = arith.constant 0 : index
        %get3A_255 = tpu.vector_load %arg12[%get3A_253, %get3A_254] {strides = array<i32>} : memref<128x128xf32, #tpu.memory_space<vmem>>, vector<16xf32>,
        %swap3A_256 = arith.index_cast %scan3A_252 : i32 to index
        %swap3A_257 = arith.constant 0 : index
        %swap3A_258 = tpu.vector_load %arg14[%swap3A_256, %swap3A_257] {strides = array<i32>} : memref<128x80xf32, #tpu.memory_space<vmem>>, vector<16xf32>,
        tpu.vector_store %arg14[%swap3A_256, %swap3A_257], %get3A_255 {strides = array<i32>} : memref<128x80xf32, #tpu.memory_space<vmem>>, vector<16xf32>,
        %get3A_259 = arith.index_cast %scan3A_252 : i32 to index
        %get3A_260 = arith.constant 16 : index
        %get3A_261 = tpu.vector_load %arg12[%get3A_259, %get3A_260] {strides = array<i32>} : memref<128x128xf32, #tpu.memory_space<vmem>>, vector<16xf32>,
        %swap3A_262 = arith.index_cast %scan3A_252 : i32 to index
        %swap3A_263 = arith.constant 16 : index
        %swap3A_264 = tpu.vector_load %arg14[%swap3A_262, %swap3A_263] {strides = array<i32>} : memref<128x80xf32, #tpu.memory_space<vmem>>, vector<16xf32>,
        tpu.vector_store %arg14[%swap3A_262, %swap3A_263], %get3A_261 {strides = array<i32>} : memref<128x80xf32, #tpu.memory_space<vmem>>, vector<16xf32>,
        %get3A_265 = arith.index_cast %scan3A_252 : i32 to index
        %get3A_266 = arith.constant 0 : index
        %get3A_267 = tpu.vector_load %arg13[%get3A_265, %get3A_266] {strides = array<i32>} : memref<128x128xf32, #tpu.memory_space<vmem>>, vector<16xf32>,
        %swap3A_268 = arith.index_cast %scan3A_252 : i32 to index
        %swap3A_269 = arith.constant 32 : index
        %swap3A_270 = tpu.vector_load %arg14[%swap3A_268, %swap3A_269] {strides = array<i32>} : memref<128x80xf32, #tpu.memory_space<vmem>>, vector<16xf32>,
        tpu.vector_store %arg14[%swap3A_268, %swap3A_269], %get3A_267 {strides = array<i32>} : memref<128x80xf32, #tpu.memory_space<vmem>>, vector<16xf32>,
        %get3A_271 = arith.index_cast %scan3A_252 : i32 to index
        %get3A_272 = arith.constant 16 : index
        %get3A_273 = tpu.vector_load %arg13[%get3A_271, %get3A_272] {strides = array<i32>} : memref<128x128xf32, #tpu.memory_space<vmem>>, vector<16xf32>,
        %swap3A_274 = arith.index_cast %scan3A_252 : i32 to index
        %swap3A_275 = arith.constant 48 : index
        %swap3A_276 = tpu.vector_load %arg14[%swap3A_274, %swap3A_275] {strides = array<i32>} : memref<128x80xf32, #tpu.memory_space<vmem>>, vector<16xf32>,
        tpu.vector_store %arg14[%swap3A_274, %swap3A_275], %get3A_273 {strides = array<i32>} : memref<128x80xf32, #tpu.memory_space<vmem>>, vector<16xf32>,
        %broadcast_in_dim3A_277 = vector.broadcast %scan3A_252 : i32 to vector<16xi32>
        %add3A_278 = arith.constant 256 : i32
        %add3A_279 = vector.broadcast %add3A_278 : i32 to vector<16xi32>
        %add3A_280 = arith.addi %broadcast_in_dim3A_277, %add3A_279 : vector<16xi32>
        %gather3A_281 = tpu.vector_load_idx %arg8[%add3A_280] : memref<384xi32, #tpu.memory_space<vmem>>[vector<16xi32>], vector<16xi32>,
        %bitcast3A_282 = vector.bitcast %gather3A_281 : vector<16xi32> to vector<16xf32>
        %mul3A_283 = arith.mulf %bitcast3A_282, %get3A_3 : vector<16xf32>
        %add3A_284 = arith.addf %mul3A_283, %get3A_5 : vector<16xf32>
        %swap3A_285 = arith.index_cast %scan3A_252 : i32 to index
        %swap3A_286 = arith.constant 64 : index
        %swap3A_287 = tpu.vector_load %arg14[%swap3A_285, %swap3A_286] {strides = array<i32>} : memref<128x80xf32, #tpu.memory_space<vmem>>, vector<16xf32>,
        tpu.vector_store %arg14[%swap3A_285, %swap3A_286], %add3A_284 {strides = array<i32>} : memref<128x80xf32, #tpu.memory_space<vmem>>, vector<16xf32>,
        %scan3A_288 = arith.constant 2 : i32
        %scan3A_289 = arith.addi %scan3A_219, %scan3A_288 : i32
        %get3A_290 = arith.index_cast %scan3A_289 : i32 to index
        %get3A_291 = arith.constant 0 : index
        %get3A_292 = tpu.vector_load %arg12[%get3A_290, %get3A_291] {strides = array<i32>} : memref<128x128xf32, #tpu.memory_space<vmem>>, vector<16xf32>,
        %swap3A_293 = arith.index_cast %scan3A_289 : i32 to index
        %swap3A_294 = arith.constant 0 : index
        %swap3A_295 = tpu.vector_load %arg14[%swap3A_293, %swap3A_294] {strides = array<i32>} : memref<128x80xf32, #tpu.memory_space<vmem>>, vector<16xf32>,
        tpu.vector_store %arg14[%swap3A_293, %swap3A_294], %get3A_292 {strides = array<i32>} : memref<128x80xf32, #tpu.memory_space<vmem>>, vector<16xf32>,
        %get3A_296 = arith.index_cast %scan3A_289 : i32 to index
        %get3A_297 = arith.constant 16 : index
        %get3A_298 = tpu.vector_load %arg12[%get3A_296, %get3A_297] {strides = array<i32>} : memref<128x128xf32, #tpu.memory_space<vmem>>, vector<16xf32>,
        %swap3A_299 = arith.index_cast %scan3A_289 : i32 to index
        %swap3A_300 = arith.constant 16 : index
        %swap3A_301 = tpu.vector_load %arg14[%swap3A_299, %swap3A_300] {strides = array<i32>} : memref<128x80xf32, #tpu.memory_space<vmem>>, vector<16xf32>,
        tpu.vector_store %arg14[%swap3A_299, %swap3A_300], %get3A_298 {strides = array<i32>} : memref<128x80xf32, #tpu.memory_space<vmem>>, vector<16xf32>,
        %get3A_302 = arith.index_cast %scan3A_289 : i32 to index
        %get3A_303 = arith.constant 0 : index
        %get3A_304 = tpu.vector_load %arg13[%get3A_302, %get3A_303] {strides = array<i32>} : memref<128x128xf32, #tpu.memory_space<vmem>>, vector<16xf32>,
        %swap3A_305 = arith.index_cast %scan3A_289 : i32 to index
        %swap3A_306 = arith.constant 32 : index
        %swap3A_307 = tpu.vector_load %arg14[%swap3A_305, %swap3A_306] {strides = array<i32>} : memref<128x80xf32, #tpu.memory_space<vmem>>, vector<16xf32>,
        tpu.vector_store %arg14[%swap3A_305, %swap3A_306], %get3A_304 {strides = array<i32>} : memref<128x80xf32, #tpu.memory_space<vmem>>, vector<16xf32>,
        %get3A_308 = arith.index_cast %scan3A_289 : i32 to index
        %get3A_309 = arith.constant 16 : index
        %get3A_310 = tpu.vector_load %arg13[%get3A_308, %get3A_309] {strides = array<i32>} : memref<128x128xf32, #tpu.memory_space<vmem>>, vector<16xf32>,
        %swap3A_311 = arith.index_cast %scan3A_289 : i32 to index
        %swap3A_312 = arith.constant 48 : index
        %swap3A_313 = tpu.vector_load %arg14[%swap3A_311, %swap3A_312] {strides = array<i32>} : memref<128x80xf32, #tpu.memory_space<vmem>>, vector<16xf32>,
        tpu.vector_store %arg14[%swap3A_311, %swap3A_312], %get3A_310 {strides = array<i32>} : memref<128x80xf32, #tpu.memory_space<vmem>>, vector<16xf32>,
        %broadcast_in_dim3A_314 = vector.broadcast %scan3A_289 : i32 to vector<16xi32>
        %add3A_315 = arith.constant 256 : i32
        %add3A_316 = vector.broadcast %add3A_315 : i32 to vector<16xi32>
        %add3A_317 = arith.addi %broadcast_in_dim3A_314, %add3A_316 : vector<16xi32>
        %gather3A_318 = tpu.vector_load_idx %arg8[%add3A_317] : memref<384xi32, #tpu.memory_space<vmem>>[vector<16xi32>], vector<16xi32>,
        %bitcast3A_319 = vector.bitcast %gather3A_318 : vector<16xi32> to vector<16xf32>
        %mul3A_320 = arith.mulf %bitcast3A_319, %get3A_3 : vector<16xf32>
        %add3A_321 = arith.addf %mul3A_320, %get3A_5 : vector<16xf32>
        %swap3A_322 = arith.index_cast %scan3A_289 : i32 to index
        %swap3A_323 = arith.constant 64 : index
        %swap3A_324 = tpu.vector_load %arg14[%swap3A_322, %swap3A_323] {strides = array<i32>} : memref<128x80xf32, #tpu.memory_space<vmem>>, vector<16xf32>,
        tpu.vector_store %arg14[%swap3A_322, %swap3A_323], %add3A_321 {strides = array<i32>} : memref<128x80xf32, #tpu.memory_space<vmem>>, vector<16xf32>,
        %scan3A_325 = arith.constant 3 : i32
        %scan3A_326 = arith.addi %scan3A_219, %scan3A_325 : i32
        %get3A_327 = arith.index_cast %scan3A_326 : i32 to index
        %get3A_328 = arith.constant 0 : index
        %get3A_329 = tpu.vector_load %arg12[%get3A_327, %get3A_328] {strides = array<i32>} : memref<128x128xf32, #tpu.memory_space<vmem>>, vector<16xf32>,
        %swap3A_330 = arith.index_cast %scan3A_326 : i32 to index
        %swap3A_331 = arith.constant 0 : index
        %swap3A_332 = tpu.vector_load %arg14[%swap3A_330, %swap3A_331] {strides = array<i32>} : memref<128x80xf32, #tpu.memory_space<vmem>>, vector<16xf32>,
        tpu.vector_store %arg14[%swap3A_330, %swap3A_331], %get3A_329 {strides = array<i32>} : memref<128x80xf32, #tpu.memory_space<vmem>>, vector<16xf32>,
        %get3A_333 = arith.index_cast %scan3A_326 : i32 to index
        %get3A_334 = arith.constant 16 : index
        %get3A_335 = tpu.vector_load %arg12[%get3A_333, %get3A_334] {strides = array<i32>} : memref<128x128xf32, #tpu.memory_space<vmem>>, vector<16xf32>,
        %swap3A_336 = arith.index_cast %scan3A_326 : i32 to index
        %swap3A_337 = arith.constant 16 : index
        %swap3A_338 = tpu.vector_load %arg14[%swap3A_336, %swap3A_337] {strides = array<i32>} : memref<128x80xf32, #tpu.memory_space<vmem>>, vector<16xf32>,
        tpu.vector_store %arg14[%swap3A_336, %swap3A_337], %get3A_335 {strides = array<i32>} : memref<128x80xf32, #tpu.memory_space<vmem>>, vector<16xf32>,
        %get3A_339 = arith.index_cast %scan3A_326 : i32 to index
        %get3A_340 = arith.constant 0 : index
        %get3A_341 = tpu.vector_load %arg13[%get3A_339, %get3A_340] {strides = array<i32>} : memref<128x128xf32, #tpu.memory_space<vmem>>, vector<16xf32>,
        %swap3A_342 = arith.index_cast %scan3A_326 : i32 to index
        %swap3A_343 = arith.constant 32 : index
        %swap3A_344 = tpu.vector_load %arg14[%swap3A_342, %swap3A_343] {strides = array<i32>} : memref<128x80xf32, #tpu.memory_space<vmem>>, vector<16xf32>,
        tpu.vector_store %arg14[%swap3A_342, %swap3A_343], %get3A_341 {strides = array<i32>} : memref<128x80xf32, #tpu.memory_space<vmem>>, vector<16xf32>,
        %get3A_345 = arith.index_cast %scan3A_326 : i32 to index
        %get3A_346 = arith.constant 16 : index
        %get3A_347 = tpu.vector_load %arg13[%get3A_345, %get3A_346] {strides = array<i32>} : memref<128x128xf32, #tpu.memory_space<vmem>>, vector<16xf32>,
        %swap3A_348 = arith.index_cast %scan3A_326 : i32 to index
        %swap3A_349 = arith.constant 48 : index
        %swap3A_350 = tpu.vector_load %arg14[%swap3A_348, %swap3A_349] {strides = array<i32>} : memref<128x80xf32, #tpu.memory_space<vmem>>, vector<16xf32>,
        tpu.vector_store %arg14[%swap3A_348, %swap3A_349], %get3A_347 {strides = array<i32>} : memref<128x80xf32, #tpu.memory_space<vmem>>, vector<16xf32>,
        %broadcast_in_dim3A_351 = vector.broadcast %scan3A_326 : i32 to vector<16xi32>
        %add3A_352 = arith.constant 256 : i32
        %add3A_353 = vector.broadcast %add3A_352 : i32 to vector<16xi32>
        %add3A_354 = arith.addi %broadcast_in_dim3A_351, %add3A_353 : vector<16xi32>
        %gather3A_355 = tpu.vector_load_idx %arg8[%add3A_354] : memref<384xi32, #tpu.memory_space<vmem>>[vector<16xi32>], vector<16xi32>,
        %bitcast3A_356 = vector.bitcast %gather3A_355 : vector<16xi32> to vector<16xf32>
        %mul3A_357 = arith.mulf %bitcast3A_356, %get3A_3 : vector<16xf32>
        %add3A_358 = arith.addf %mul3A_357, %get3A_5 : vector<16xf32>
        %swap3A_359 = arith.index_cast %scan3A_326 : i32 to index
        %swap3A_360 = arith.constant 64 : index
        %swap3A_361 = tpu.vector_load %arg14[%swap3A_359, %swap3A_360] {strides = array<i32>} : memref<128x80xf32, #tpu.memory_space<vmem>>, vector<16xf32>,
        tpu.vector_store %arg14[%swap3A_359, %swap3A_360], %add3A_358 {strides = array<i32>} : memref<128x80xf32, #tpu.memory_space<vmem>>, vector<16xf32>,
      }
      %scan3A_85 = arith.constant 128 : i32
      %dma_start3A_86 = arith.constant 0 : i32
      %dma_start3A_87 = tpu.memref_slice %arg7[%mul3A_66, %dma_start3A_86] : memref<819200x80xf32, #tpu.memory_space<hbm>> -> memref<128x80xf32, #tpu.memory_space<hbm>>
      %dma_start3A_88 = arith.constant 0 : i32
      %dma_start3A_89 = tpu.memref_slice %arg7[%mul3A_66, %dma_start3A_88] : memref<819200x80xf32, #tpu.memory_space<hbm>> -> memref<128x80xf32, #tpu.memory_space<hbm>>
      tpu.enqueue_dma source(%arg14 : memref<128x80xf32, #tpu.memory_space<vmem>>) target(%dma_start3A_89 : memref<128x80xf32, #tpu.memory_space<hbm>>) target_semaphore(%arg26 : memref<!tpu.dma_semaphore, #tpu.memory_space<semaphore_mem>>)
      %convert_element_type3A_90 = arith.extui %lt3A_63 : i1 to i32
      %cond3A_91 = arith.constant 0 : i32
      %cond3A_92 = arith.cmpi ne, %convert_element_type3A_90, %cond3A_91 : i32
      scf.if %cond3A_92 {
        %add3A_219 = arith.constant 4 : i32
        %add3A_220 = arith.addi %add3A_62, %add3A_219 : i32
        %mul3A_221 = arith.constant 384 : i32
        %mul3A_222 = arith.muli %add3A_220, %mul3A_221 : i32
        %dma_start3A_223 = tpu.memref_slice %arg2[%mul3A_222] : memref<2457600xi32, #tpu.memory_space<hbm>> -> memref<384xi32, #tpu.memory_space<hbm>>
        %dma_start3A_224 = tpu.memref_slice %arg2[%mul3A_222] : memref<2457600xi32, #tpu.memory_space<hbm>> -> memref<384xi32, #tpu.memory_space<hbm>>
        tpu.enqueue_dma source(%dma_start3A_224 : memref<384xi32, #tpu.memory_space<hbm>>) target(%arg8 : memref<384xi32, #tpu.memory_space<vmem>>) target_semaphore(%arg20 : memref<!tpu.dma_semaphore, #tpu.memory_space<semaphore_mem>>)
      } else {
      }
      %dma_wait3A_93 = arith.constant 0 : i32
      %dma_wait3A_94 = tpu.memref_slice %arg2[%dma_wait3A_93] : memref<2457600xi32, #tpu.memory_space<hbm>> -> memref<384xi32, #tpu.memory_space<hbm>>
      %dma_wait3A_95 = arith.constant 0 : i32
      %dma_wait3A_96 = tpu.memref_slice %arg2[%dma_wait3A_95] : memref<2457600xi32, #tpu.memory_space<hbm>> -> memref<384xi32, #tpu.memory_space<hbm>>
      tpu.wait_dma2 semaphore(%arg22 : memref<!tpu.dma_semaphore, #tpu.memory_space<semaphore_mem>>) src(%dma_wait3A_96 : memref<384xi32, #tpu.memory_space<hbm>>) dst(%arg10 : memref<384xi32, #tpu.memory_space<vmem>>)
      %dma_start3A_97 = arith.constant 0 : i32
      %dma_start3A_98 = tpu.memref_slice %arg10[%dma_start3A_97] : memref<384xi32, #tpu.memory_space<vmem>> -> memref<128xi32, #tpu.memory_space<vmem>>
      %dma_start3A_99 = arith.constant 0 : i32
      %dma_start3A_100 = arith.constant 0 : i32
      %dma_start3A_101 = tpu.memref_slice %arg3[%dma_start3A_99, %dma_start3A_100] : memref<1000001x128xf32, #tpu.memory_space<hbm>> -> memref<1000001x128xf32, #tpu.memory_space<hbm>>
      tpu.enqueue_indirect_dma source(%dma_start3A_101 : memref<1000001x128xf32, #tpu.memory_space<hbm>>) target(%arg12 : memref<128x128xf32, #tpu.memory_space<vmem>>) offsets(%dma_start3A_98 : memref<128xi32, #tpu.memory_space<vmem>>) semaphore(%arg24 : memref<!tpu.dma_semaphore, #tpu.memory_space<semaphore_mem>>)
      %dma_start3A_102 = arith.constant 128 : i32
      %dma_start3A_103 = tpu.memref_slice %arg10[%dma_start3A_102] : memref<384xi32, #tpu.memory_space<vmem>> -> memref<128xi32, #tpu.memory_space<vmem>>
      %dma_start3A_104 = arith.constant 0 : i32
      %dma_start3A_105 = arith.constant 0 : i32
      %dma_start3A_106 = tpu.memref_slice %arg4[%dma_start3A_104, %dma_start3A_105] : memref<100001x128xf32, #tpu.memory_space<hbm>> -> memref<100001x128xf32, #tpu.memory_space<hbm>>
      tpu.enqueue_indirect_dma source(%dma_start3A_106 : memref<100001x128xf32, #tpu.memory_space<hbm>>) target(%arg13 : memref<128x128xf32, #tpu.memory_space<vmem>>) offsets(%dma_start3A_103 : memref<128xi32, #tpu.memory_space<vmem>>) semaphore(%arg24 : memref<!tpu.dma_semaphore, #tpu.memory_space<semaphore_mem>>)
      %add3A_107 = arith.constant 1 : i32
      %add3A_108 = arith.addi %add3A_62, %add3A_107 : i32
      %mul3A_109 = arith.constant 128 : i32
      %mul3A_110 = arith.muli %add3A_108, %mul3A_109 : i32
      %dma_wait3A_111 = arith.constant 0 : i32
      %dma_wait3A_112 = arith.constant 0 : i32
      %dma_wait3A_113 = tpu.memref_slice %arg3[%dma_wait3A_111, %dma_wait3A_112] : memref<1000001x128xf32, #tpu.memory_space<hbm>> -> memref<128x128xf32, #tpu.memory_space<hbm>>
      %dma_wait3A_114 = arith.constant 0 : i32
      %dma_wait3A_115 = arith.constant 0 : i32
      %dma_wait3A_116 = tpu.memref_slice %arg3[%dma_wait3A_114, %dma_wait3A_115] : memref<1000001x128xf32, #tpu.memory_space<hbm>> -> memref<128x128xf32, #tpu.memory_space<hbm>>
      tpu.wait_dma2 semaphore(%arg25 : memref<!tpu.dma_semaphore, #tpu.memory_space<semaphore_mem>>) src(%dma_wait3A_116 : memref<128x128xf32, #tpu.memory_space<hbm>>) dst(%arg15 : memref<128x128xf32, #tpu.memory_space<vmem>>)
      %dma_wait3A_117 = arith.constant 0 : i32
      %dma_wait3A_118 = arith.constant 0 : i32
      %dma_wait3A_119 = tpu.memref_slice %arg4[%dma_wait3A_117, %dma_wait3A_118] : memref<100001x128xf32, #tpu.memory_space<hbm>> -> memref<128x128xf32, #tpu.memory_space<hbm>>
      %dma_wait3A_120 = arith.constant 0 : i32
      %dma_wait3A_121 = arith.constant 0 : i32
      %dma_wait3A_122 = tpu.memref_slice %arg4[%dma_wait3A_120, %dma_wait3A_121] : memref<100001x128xf32, #tpu.memory_space<hbm>> -> memref<128x128xf32, #tpu.memory_space<hbm>>
      tpu.wait_dma2 semaphore(%arg25 : memref<!tpu.dma_semaphore, #tpu.memory_space<semaphore_mem>>) src(%dma_wait3A_122 : memref<128x128xf32, #tpu.memory_space<hbm>>) dst(%arg16 : memref<128x128xf32, #tpu.memory_space<vmem>>)
      %convert_element_type3A_123 = arith.extui %gt3A_64 : i1 to i32
      %cond3A_124 = arith.constant 0 : i32
      %cond3A_125 = arith.cmpi ne, %convert_element_type3A_123, %cond3A_124 : i32
      scf.if %cond3A_125 {
        %dma_wait3A_219 = arith.constant 0 : i32
        %dma_wait3A_220 = tpu.memref_slice %arg7[%mul3A_110, %dma_wait3A_219] : memref<819200x80xf32, #tpu.memory_space<hbm>> -> memref<128x80xf32, #tpu.memory_space<hbm>>
        %dma_wait3A_221 = arith.constant 0 : i32
        %dma_wait3A_222 = tpu.memref_slice %arg7[%mul3A_110, %dma_wait3A_221] : memref<819200x80xf32, #tpu.memory_space<hbm>> -> memref<128x80xf32, #tpu.memory_space<hbm>>
        tpu.wait_dma2 semaphore(%arg27 : memref<!tpu.dma_semaphore, #tpu.memory_space<semaphore_mem>>) src(%arg17 : memref<128x80xf32, #tpu.memory_space<vmem>>) dst(%dma_wait3A_222 : memref<128x80xf32, #tpu.memory_space<hbm>>)
      } else {
      }
      %scan3A_126 = arith.constant 0 : i32
      %scan3A_127 = arith.constant 0 : i32
      %scan3A_128 = arith.constant 128 : i32
      %scan3A_129 = arith.addi %scan3A_127, %scan3A_128 : i32
      %scan3A_130 = arith.constant 4 : i32
      scf.for %scan3A_219 = %scan3A_127 to %scan3A_129 step %scan3A_130  : i32 {
        %get3A_220 = arith.index_cast %scan3A_219 : i32 to index
        %get3A_221 = arith.constant 0 : index
        %get3A_222 = tpu.vector_load %arg15[%get3A_220, %get3A_221] {strides = array<i32>} : memref<128x128xf32, #tpu.memory_space<vmem>>, vector<16xf32>,
        %swap3A = arith.index_cast %scan3A_219 : i32 to index
        %swap3A_223 = arith.constant 0 : index
        %swap3A_224 = tpu.vector_load %arg17[%swap3A, %swap3A_223] {strides = array<i32>} : memref<128x80xf32, #tpu.memory_space<vmem>>, vector<16xf32>,
        tpu.vector_store %arg17[%swap3A, %swap3A_223], %get3A_222 {strides = array<i32>} : memref<128x80xf32, #tpu.memory_space<vmem>>, vector<16xf32>,
        %get3A_225 = arith.index_cast %scan3A_219 : i32 to index
        %get3A_226 = arith.constant 16 : index
        %get3A_227 = tpu.vector_load %arg15[%get3A_225, %get3A_226] {strides = array<i32>} : memref<128x128xf32, #tpu.memory_space<vmem>>, vector<16xf32>,
        %swap3A_228 = arith.index_cast %scan3A_219 : i32 to index
        %swap3A_229 = arith.constant 16 : index
        %swap3A_230 = tpu.vector_load %arg17[%swap3A_228, %swap3A_229] {strides = array<i32>} : memref<128x80xf32, #tpu.memory_space<vmem>>, vector<16xf32>,
        tpu.vector_store %arg17[%swap3A_228, %swap3A_229], %get3A_227 {strides = array<i32>} : memref<128x80xf32, #tpu.memory_space<vmem>>, vector<16xf32>,
        %get3A_231 = arith.index_cast %scan3A_219 : i32 to index
        %get3A_232 = arith.constant 0 : index
        %get3A_233 = tpu.vector_load %arg16[%get3A_231, %get3A_232] {strides = array<i32>} : memref<128x128xf32, #tpu.memory_space<vmem>>, vector<16xf32>,
        %swap3A_234 = arith.index_cast %scan3A_219 : i32 to index
        %swap3A_235 = arith.constant 32 : index
        %swap3A_236 = tpu.vector_load %arg17[%swap3A_234, %swap3A_235] {strides = array<i32>} : memref<128x80xf32, #tpu.memory_space<vmem>>, vector<16xf32>,
        tpu.vector_store %arg17[%swap3A_234, %swap3A_235], %get3A_233 {strides = array<i32>} : memref<128x80xf32, #tpu.memory_space<vmem>>, vector<16xf32>,
        %get3A_237 = arith.index_cast %scan3A_219 : i32 to index
        %get3A_238 = arith.constant 16 : index
        %get3A_239 = tpu.vector_load %arg16[%get3A_237, %get3A_238] {strides = array<i32>} : memref<128x128xf32, #tpu.memory_space<vmem>>, vector<16xf32>,
        %swap3A_240 = arith.index_cast %scan3A_219 : i32 to index
        %swap3A_241 = arith.constant 48 : index
        %swap3A_242 = tpu.vector_load %arg17[%swap3A_240, %swap3A_241] {strides = array<i32>} : memref<128x80xf32, #tpu.memory_space<vmem>>, vector<16xf32>,
        tpu.vector_store %arg17[%swap3A_240, %swap3A_241], %get3A_239 {strides = array<i32>} : memref<128x80xf32, #tpu.memory_space<vmem>>, vector<16xf32>,
        %broadcast_in_dim3A = vector.broadcast %scan3A_219 : i32 to vector<16xi32>
        %add3A_243 = arith.constant 256 : i32
        %add3A_244 = vector.broadcast %add3A_243 : i32 to vector<16xi32>
        %add3A_245 = arith.addi %broadcast_in_dim3A, %add3A_244 : vector<16xi32>
        %gather3A = tpu.vector_load_idx %arg9[%add3A_245] : memref<384xi32, #tpu.memory_space<vmem>>[vector<16xi32>], vector<16xi32>,
        %bitcast3A = vector.bitcast %gather3A : vector<16xi32> to vector<16xf32>
        %mul3A_246 = arith.mulf %bitcast3A, %get3A_3 : vector<16xf32>
        %add3A_247 = arith.addf %mul3A_246, %get3A_5 : vector<16xf32>
        %swap3A_248 = arith.index_cast %scan3A_219 : i32 to index
        %swap3A_249 = arith.constant 64 : index
        %swap3A_250 = tpu.vector_load %arg17[%swap3A_248, %swap3A_249] {strides = array<i32>} : memref<128x80xf32, #tpu.memory_space<vmem>>, vector<16xf32>,
        tpu.vector_store %arg17[%swap3A_248, %swap3A_249], %add3A_247 {strides = array<i32>} : memref<128x80xf32, #tpu.memory_space<vmem>>, vector<16xf32>,
        %scan3A_251 = arith.constant 1 : i32
        %scan3A_252 = arith.addi %scan3A_219, %scan3A_251 : i32
        %get3A_253 = arith.index_cast %scan3A_252 : i32 to index
        %get3A_254 = arith.constant 0 : index
        %get3A_255 = tpu.vector_load %arg15[%get3A_253, %get3A_254] {strides = array<i32>} : memref<128x128xf32, #tpu.memory_space<vmem>>, vector<16xf32>,
        %swap3A_256 = arith.index_cast %scan3A_252 : i32 to index
        %swap3A_257 = arith.constant 0 : index
        %swap3A_258 = tpu.vector_load %arg17[%swap3A_256, %swap3A_257] {strides = array<i32>} : memref<128x80xf32, #tpu.memory_space<vmem>>, vector<16xf32>,
        tpu.vector_store %arg17[%swap3A_256, %swap3A_257], %get3A_255 {strides = array<i32>} : memref<128x80xf32, #tpu.memory_space<vmem>>, vector<16xf32>,
        %get3A_259 = arith.index_cast %scan3A_252 : i32 to index
        %get3A_260 = arith.constant 16 : index
        %get3A_261 = tpu.vector_load %arg15[%get3A_259, %get3A_260] {strides = array<i32>} : memref<128x128xf32, #tpu.memory_space<vmem>>, vector<16xf32>,
        %swap3A_262 = arith.index_cast %scan3A_252 : i32 to index
        %swap3A_263 = arith.constant 16 : index
        %swap3A_264 = tpu.vector_load %arg17[%swap3A_262, %swap3A_263] {strides = array<i32>} : memref<128x80xf32, #tpu.memory_space<vmem>>, vector<16xf32>,
        tpu.vector_store %arg17[%swap3A_262, %swap3A_263], %get3A_261 {strides = array<i32>} : memref<128x80xf32, #tpu.memory_space<vmem>>, vector<16xf32>,
        %get3A_265 = arith.index_cast %scan3A_252 : i32 to index
        %get3A_266 = arith.constant 0 : index
        %get3A_267 = tpu.vector_load %arg16[%get3A_265, %get3A_266] {strides = array<i32>} : memref<128x128xf32, #tpu.memory_space<vmem>>, vector<16xf32>,
        %swap3A_268 = arith.index_cast %scan3A_252 : i32 to index
        %swap3A_269 = arith.constant 32 : index
        %swap3A_270 = tpu.vector_load %arg17[%swap3A_268, %swap3A_269] {strides = array<i32>} : memref<128x80xf32, #tpu.memory_space<vmem>>, vector<16xf32>,
        tpu.vector_store %arg17[%swap3A_268, %swap3A_269], %get3A_267 {strides = array<i32>} : memref<128x80xf32, #tpu.memory_space<vmem>>, vector<16xf32>,
        %get3A_271 = arith.index_cast %scan3A_252 : i32 to index
        %get3A_272 = arith.constant 16 : index
        %get3A_273 = tpu.vector_load %arg16[%get3A_271, %get3A_272] {strides = array<i32>} : memref<128x128xf32, #tpu.memory_space<vmem>>, vector<16xf32>,
        %swap3A_274 = arith.index_cast %scan3A_252 : i32 to index
        %swap3A_275 = arith.constant 48 : index
        %swap3A_276 = tpu.vector_load %arg17[%swap3A_274, %swap3A_275] {strides = array<i32>} : memref<128x80xf32, #tpu.memory_space<vmem>>, vector<16xf32>,
        tpu.vector_store %arg17[%swap3A_274, %swap3A_275], %get3A_273 {strides = array<i32>} : memref<128x80xf32, #tpu.memory_space<vmem>>, vector<16xf32>,
        %broadcast_in_dim3A_277 = vector.broadcast %scan3A_252 : i32 to vector<16xi32>
        %add3A_278 = arith.constant 256 : i32
        %add3A_279 = vector.broadcast %add3A_278 : i32 to vector<16xi32>
        %add3A_280 = arith.addi %broadcast_in_dim3A_277, %add3A_279 : vector<16xi32>
        %gather3A_281 = tpu.vector_load_idx %arg9[%add3A_280] : memref<384xi32, #tpu.memory_space<vmem>>[vector<16xi32>], vector<16xi32>,
        %bitcast3A_282 = vector.bitcast %gather3A_281 : vector<16xi32> to vector<16xf32>
        %mul3A_283 = arith.mulf %bitcast3A_282, %get3A_3 : vector<16xf32>
        %add3A_284 = arith.addf %mul3A_283, %get3A_5 : vector<16xf32>
        %swap3A_285 = arith.index_cast %scan3A_252 : i32 to index
        %swap3A_286 = arith.constant 64 : index
        %swap3A_287 = tpu.vector_load %arg17[%swap3A_285, %swap3A_286] {strides = array<i32>} : memref<128x80xf32, #tpu.memory_space<vmem>>, vector<16xf32>,
        tpu.vector_store %arg17[%swap3A_285, %swap3A_286], %add3A_284 {strides = array<i32>} : memref<128x80xf32, #tpu.memory_space<vmem>>, vector<16xf32>,
        %scan3A_288 = arith.constant 2 : i32
        %scan3A_289 = arith.addi %scan3A_219, %scan3A_288 : i32
        %get3A_290 = arith.index_cast %scan3A_289 : i32 to index
        %get3A_291 = arith.constant 0 : index
        %get3A_292 = tpu.vector_load %arg15[%get3A_290, %get3A_291] {strides = array<i32>} : memref<128x128xf32, #tpu.memory_space<vmem>>, vector<16xf32>,
        %swap3A_293 = arith.index_cast %scan3A_289 : i32 to index
        %swap3A_294 = arith.constant 0 : index
        %swap3A_295 = tpu.vector_load %arg17[%swap3A_293, %swap3A_294] {strides = array<i32>} : memref<128x80xf32, #tpu.memory_space<vmem>>, vector<16xf32>,
        tpu.vector_store %arg17[%swap3A_293, %swap3A_294], %get3A_292 {strides = array<i32>} : memref<128x80xf32, #tpu.memory_space<vmem>>, vector<16xf32>,
        %get3A_296 = arith.index_cast %scan3A_289 : i32 to index
        %get3A_297 = arith.constant 16 : index
        %get3A_298 = tpu.vector_load %arg15[%get3A_296, %get3A_297] {strides = array<i32>} : memref<128x128xf32, #tpu.memory_space<vmem>>, vector<16xf32>,
        %swap3A_299 = arith.index_cast %scan3A_289 : i32 to index
        %swap3A_300 = arith.constant 16 : index
        %swap3A_301 = tpu.vector_load %arg17[%swap3A_299, %swap3A_300] {strides = array<i32>} : memref<128x80xf32, #tpu.memory_space<vmem>>, vector<16xf32>,
        tpu.vector_store %arg17[%swap3A_299, %swap3A_300], %get3A_298 {strides = array<i32>} : memref<128x80xf32, #tpu.memory_space<vmem>>, vector<16xf32>,
        %get3A_302 = arith.index_cast %scan3A_289 : i32 to index
        %get3A_303 = arith.constant 0 : index
        %get3A_304 = tpu.vector_load %arg16[%get3A_302, %get3A_303] {strides = array<i32>} : memref<128x128xf32, #tpu.memory_space<vmem>>, vector<16xf32>,
        %swap3A_305 = arith.index_cast %scan3A_289 : i32 to index
        %swap3A_306 = arith.constant 32 : index
        %swap3A_307 = tpu.vector_load %arg17[%swap3A_305, %swap3A_306] {strides = array<i32>} : memref<128x80xf32, #tpu.memory_space<vmem>>, vector<16xf32>,
        tpu.vector_store %arg17[%swap3A_305, %swap3A_306], %get3A_304 {strides = array<i32>} : memref<128x80xf32, #tpu.memory_space<vmem>>, vector<16xf32>,
        %get3A_308 = arith.index_cast %scan3A_289 : i32 to index
        %get3A_309 = arith.constant 16 : index
        %get3A_310 = tpu.vector_load %arg16[%get3A_308, %get3A_309] {strides = array<i32>} : memref<128x128xf32, #tpu.memory_space<vmem>>, vector<16xf32>,
        %swap3A_311 = arith.index_cast %scan3A_289 : i32 to index
        %swap3A_312 = arith.constant 48 : index
        %swap3A_313 = tpu.vector_load %arg17[%swap3A_311, %swap3A_312] {strides = array<i32>} : memref<128x80xf32, #tpu.memory_space<vmem>>, vector<16xf32>,
        tpu.vector_store %arg17[%swap3A_311, %swap3A_312], %get3A_310 {strides = array<i32>} : memref<128x80xf32, #tpu.memory_space<vmem>>, vector<16xf32>,
        %broadcast_in_dim3A_314 = vector.broadcast %scan3A_289 : i32 to vector<16xi32>
        %add3A_315 = arith.constant 256 : i32
        %add3A_316 = vector.broadcast %add3A_315 : i32 to vector<16xi32>
        %add3A_317 = arith.addi %broadcast_in_dim3A_314, %add3A_316 : vector<16xi32>
        %gather3A_318 = tpu.vector_load_idx %arg9[%add3A_317] : memref<384xi32, #tpu.memory_space<vmem>>[vector<16xi32>], vector<16xi32>,
        %bitcast3A_319 = vector.bitcast %gather3A_318 : vector<16xi32> to vector<16xf32>
        %mul3A_320 = arith.mulf %bitcast3A_319, %get3A_3 : vector<16xf32>
        %add3A_321 = arith.addf %mul3A_320, %get3A_5 : vector<16xf32>
        %swap3A_322 = arith.index_cast %scan3A_289 : i32 to index
        %swap3A_323 = arith.constant 64 : index
        %swap3A_324 = tpu.vector_load %arg17[%swap3A_322, %swap3A_323] {strides = array<i32>} : memref<128x80xf32, #tpu.memory_space<vmem>>, vector<16xf32>,
        tpu.vector_store %arg17[%swap3A_322, %swap3A_323], %add3A_321 {strides = array<i32>} : memref<128x80xf32, #tpu.memory_space<vmem>>, vector<16xf32>,
        %scan3A_325 = arith.constant 3 : i32
        %scan3A_326 = arith.addi %scan3A_219, %scan3A_325 : i32
        %get3A_327 = arith.index_cast %scan3A_326 : i32 to index
        %get3A_328 = arith.constant 0 : index
        %get3A_329 = tpu.vector_load %arg15[%get3A_327, %get3A_328] {strides = array<i32>} : memref<128x128xf32, #tpu.memory_space<vmem>>, vector<16xf32>,
        %swap3A_330 = arith.index_cast %scan3A_326 : i32 to index
        %swap3A_331 = arith.constant 0 : index
        %swap3A_332 = tpu.vector_load %arg17[%swap3A_330, %swap3A_331] {strides = array<i32>} : memref<128x80xf32, #tpu.memory_space<vmem>>, vector<16xf32>,
        tpu.vector_store %arg17[%swap3A_330, %swap3A_331], %get3A_329 {strides = array<i32>} : memref<128x80xf32, #tpu.memory_space<vmem>>, vector<16xf32>,
        %get3A_333 = arith.index_cast %scan3A_326 : i32 to index
        %get3A_334 = arith.constant 16 : index
        %get3A_335 = tpu.vector_load %arg15[%get3A_333, %get3A_334] {strides = array<i32>} : memref<128x128xf32, #tpu.memory_space<vmem>>, vector<16xf32>,
        %swap3A_336 = arith.index_cast %scan3A_326 : i32 to index
        %swap3A_337 = arith.constant 16 : index
        %swap3A_338 = tpu.vector_load %arg17[%swap3A_336, %swap3A_337] {strides = array<i32>} : memref<128x80xf32, #tpu.memory_space<vmem>>, vector<16xf32>,
        tpu.vector_store %arg17[%swap3A_336, %swap3A_337], %get3A_335 {strides = array<i32>} : memref<128x80xf32, #tpu.memory_space<vmem>>, vector<16xf32>,
        %get3A_339 = arith.index_cast %scan3A_326 : i32 to index
        %get3A_340 = arith.constant 0 : index
        %get3A_341 = tpu.vector_load %arg16[%get3A_339, %get3A_340] {strides = array<i32>} : memref<128x128xf32, #tpu.memory_space<vmem>>, vector<16xf32>,
        %swap3A_342 = arith.index_cast %scan3A_326 : i32 to index
        %swap3A_343 = arith.constant 32 : index
        %swap3A_344 = tpu.vector_load %arg17[%swap3A_342, %swap3A_343] {strides = array<i32>} : memref<128x80xf32, #tpu.memory_space<vmem>>, vector<16xf32>,
        tpu.vector_store %arg17[%swap3A_342, %swap3A_343], %get3A_341 {strides = array<i32>} : memref<128x80xf32, #tpu.memory_space<vmem>>, vector<16xf32>,
        %get3A_345 = arith.index_cast %scan3A_326 : i32 to index
        %get3A_346 = arith.constant 16 : index
        %get3A_347 = tpu.vector_load %arg16[%get3A_345, %get3A_346] {strides = array<i32>} : memref<128x128xf32, #tpu.memory_space<vmem>>, vector<16xf32>,
        %swap3A_348 = arith.index_cast %scan3A_326 : i32 to index
        %swap3A_349 = arith.constant 48 : index
        %swap3A_350 = tpu.vector_load %arg17[%swap3A_348, %swap3A_349] {strides = array<i32>} : memref<128x80xf32, #tpu.memory_space<vmem>>, vector<16xf32>,
        tpu.vector_store %arg17[%swap3A_348, %swap3A_349], %get3A_347 {strides = array<i32>} : memref<128x80xf32, #tpu.memory_space<vmem>>, vector<16xf32>,
        %broadcast_in_dim3A_351 = vector.broadcast %scan3A_326 : i32 to vector<16xi32>
        %add3A_352 = arith.constant 256 : i32
        %add3A_353 = vector.broadcast %add3A_352 : i32 to vector<16xi32>
        %add3A_354 = arith.addi %broadcast_in_dim3A_351, %add3A_353 : vector<16xi32>
        %gather3A_355 = tpu.vector_load_idx %arg9[%add3A_354] : memref<384xi32, #tpu.memory_space<vmem>>[vector<16xi32>], vector<16xi32>,
        %bitcast3A_356 = vector.bitcast %gather3A_355 : vector<16xi32> to vector<16xf32>
        %mul3A_357 = arith.mulf %bitcast3A_356, %get3A_3 : vector<16xf32>
        %add3A_358 = arith.addf %mul3A_357, %get3A_5 : vector<16xf32>
        %swap3A_359 = arith.index_cast %scan3A_326 : i32 to index
        %swap3A_360 = arith.constant 64 : index
        %swap3A_361 = tpu.vector_load %arg17[%swap3A_359, %swap3A_360] {strides = array<i32>} : memref<128x80xf32, #tpu.memory_space<vmem>>, vector<16xf32>,
        tpu.vector_store %arg17[%swap3A_359, %swap3A_360], %add3A_358 {strides = array<i32>} : memref<128x80xf32, #tpu.memory_space<vmem>>, vector<16xf32>,
      }
      %scan3A_131 = arith.constant 128 : i32
      %dma_start3A_132 = arith.constant 0 : i32
      %dma_start3A_133 = tpu.memref_slice %arg7[%mul3A_110, %dma_start3A_132] : memref<819200x80xf32, #tpu.memory_space<hbm>> -> memref<128x80xf32, #tpu.memory_space<hbm>>
      %dma_start3A_134 = arith.constant 0 : i32
      %dma_start3A_135 = tpu.memref_slice %arg7[%mul3A_110, %dma_start3A_134] : memref<819200x80xf32, #tpu.memory_space<hbm>> -> memref<128x80xf32, #tpu.memory_space<hbm>>
      tpu.enqueue_dma source(%arg17 : memref<128x80xf32, #tpu.memory_space<vmem>>) target(%dma_start3A_135 : memref<128x80xf32, #tpu.memory_space<hbm>>) target_semaphore(%arg27 : memref<!tpu.dma_semaphore, #tpu.memory_space<semaphore_mem>>)
      %convert_element_type3A_136 = arith.extui %lt3A_63 : i1 to i32
      %cond3A_137 = arith.constant 0 : i32
      %cond3A_138 = arith.cmpi ne, %convert_element_type3A_136, %cond3A_137 : i32
      scf.if %cond3A_138 {
        %add3A_219 = arith.constant 5 : i32
        %add3A_220 = arith.addi %add3A_62, %add3A_219 : i32
        %mul3A_221 = arith.constant 384 : i32
        %mul3A_222 = arith.muli %add3A_220, %mul3A_221 : i32
        %dma_start3A_223 = tpu.memref_slice %arg2[%mul3A_222] : memref<2457600xi32, #tpu.memory_space<hbm>> -> memref<384xi32, #tpu.memory_space<hbm>>
        %dma_start3A_224 = tpu.memref_slice %arg2[%mul3A_222] : memref<2457600xi32, #tpu.memory_space<hbm>> -> memref<384xi32, #tpu.memory_space<hbm>>
        tpu.enqueue_dma source(%dma_start3A_224 : memref<384xi32, #tpu.memory_space<hbm>>) target(%arg9 : memref<384xi32, #tpu.memory_space<vmem>>) target_semaphore(%arg21 : memref<!tpu.dma_semaphore, #tpu.memory_space<semaphore_mem>>)
      } else {
      }
      %dma_wait3A_139 = arith.constant 0 : i32
      %dma_wait3A_140 = tpu.memref_slice %arg2[%dma_wait3A_139] : memref<2457600xi32, #tpu.memory_space<hbm>> -> memref<384xi32, #tpu.memory_space<hbm>>
      %dma_wait3A_141 = arith.constant 0 : i32
      %dma_wait3A_142 = tpu.memref_slice %arg2[%dma_wait3A_141] : memref<2457600xi32, #tpu.memory_space<hbm>> -> memref<384xi32, #tpu.memory_space<hbm>>
      tpu.wait_dma2 semaphore(%arg23 : memref<!tpu.dma_semaphore, #tpu.memory_space<semaphore_mem>>) src(%dma_wait3A_142 : memref<384xi32, #tpu.memory_space<hbm>>) dst(%arg11 : memref<384xi32, #tpu.memory_space<vmem>>)
      %dma_start3A_143 = arith.constant 0 : i32
      %dma_start3A_144 = tpu.memref_slice %arg11[%dma_start3A_143] : memref<384xi32, #tpu.memory_space<vmem>> -> memref<128xi32, #tpu.memory_space<vmem>>
      %dma_start3A_145 = arith.constant 0 : i32
      %dma_start3A_146 = arith.constant 0 : i32
      %dma_start3A_147 = tpu.memref_slice %arg3[%dma_start3A_145, %dma_start3A_146] : memref<1000001x128xf32, #tpu.memory_space<hbm>> -> memref<1000001x128xf32, #tpu.memory_space<hbm>>
      tpu.enqueue_indirect_dma source(%dma_start3A_147 : memref<1000001x128xf32, #tpu.memory_space<hbm>>) target(%arg15 : memref<128x128xf32, #tpu.memory_space<vmem>>) offsets(%dma_start3A_144 : memref<128xi32, #tpu.memory_space<vmem>>) semaphore(%arg25 : memref<!tpu.dma_semaphore, #tpu.memory_space<semaphore_mem>>)
      %dma_start3A_148 = arith.constant 128 : i32
      %dma_start3A_149 = tpu.memref_slice %arg11[%dma_start3A_148] : memref<384xi32, #tpu.memory_space<vmem>> -> memref<128xi32, #tpu.memory_space<vmem>>
      %dma_start3A_150 = arith.constant 0 : i32
      %dma_start3A_151 = arith.constant 0 : i32
      %dma_start3A_152 = tpu.memref_slice %arg4[%dma_start3A_150, %dma_start3A_151] : memref<100001x128xf32, #tpu.memory_space<hbm>> -> memref<100001x128xf32, #tpu.memory_space<hbm>>
      tpu.enqueue_indirect_dma source(%dma_start3A_152 : memref<100001x128xf32, #tpu.memory_space<hbm>>) target(%arg16 : memref<128x128xf32, #tpu.memory_space<vmem>>) offsets(%dma_start3A_149 : memref<128xi32, #tpu.memory_space<vmem>>) semaphore(%arg25 : memref<!tpu.dma_semaphore, #tpu.memory_space<semaphore_mem>>)
      %add3A_153 = arith.constant 2 : i32
      %add3A_154 = arith.addi %add3A_62, %add3A_153 : i32
      %mul3A_155 = arith.constant 128 : i32
      %mul3A_156 = arith.muli %add3A_154, %mul3A_155 : i32
      %dma_wait3A_157 = arith.constant 0 : i32
      %dma_wait3A_158 = arith.constant 0 : i32
      %dma_wait3A_159 = tpu.memref_slice %arg3[%dma_wait3A_157, %dma_wait3A_158] : memref<1000001x128xf32, #tpu.memory_space<hbm>> -> memref<128x128xf32, #tpu.memory_space<hbm>>
      %dma_wait3A_160 = arith.constant 0 : i32
      %dma_wait3A_161 = arith.constant 0 : i32
      %dma_wait3A_162 = tpu.memref_slice %arg3[%dma_wait3A_160, %dma_wait3A_161] : memref<1000001x128xf32, #tpu.memory_space<hbm>> -> memref<128x128xf32, #tpu.memory_space<hbm>>
      tpu.wait_dma2 semaphore(%arg24 : memref<!tpu.dma_semaphore, #tpu.memory_space<semaphore_mem>>) src(%dma_wait3A_162 : memref<128x128xf32, #tpu.memory_space<hbm>>) dst(%arg12 : memref<128x128xf32, #tpu.memory_space<vmem>>)
      %dma_wait3A_163 = arith.constant 0 : i32
      %dma_wait3A_164 = arith.constant 0 : i32
      %dma_wait3A_165 = tpu.memref_slice %arg4[%dma_wait3A_163, %dma_wait3A_164] : memref<100001x128xf32, #tpu.memory_space<hbm>> -> memref<128x128xf32, #tpu.memory_space<hbm>>
      %dma_wait3A_166 = arith.constant 0 : i32
      %dma_wait3A_167 = arith.constant 0 : i32
      %dma_wait3A_168 = tpu.memref_slice %arg4[%dma_wait3A_166, %dma_wait3A_167] : memref<100001x128xf32, #tpu.memory_space<hbm>> -> memref<128x128xf32, #tpu.memory_space<hbm>>
      tpu.wait_dma2 semaphore(%arg24 : memref<!tpu.dma_semaphore, #tpu.memory_space<semaphore_mem>>) src(%dma_wait3A_168 : memref<128x128xf32, #tpu.memory_space<hbm>>) dst(%arg13 : memref<128x128xf32, #tpu.memory_space<vmem>>)
      %dma_wait3A_169 = arith.constant 0 : i32
      %dma_wait3A_170 = tpu.memref_slice %arg7[%mul3A_156, %dma_wait3A_169] : memref<819200x80xf32, #tpu.memory_space<hbm>> -> memref<128x80xf32, #tpu.memory_space<hbm>>
      %dma_wait3A_171 = arith.constant 0 : i32
      %dma_wait3A_172 = tpu.memref_slice %arg7[%mul3A_156, %dma_wait3A_171] : memref<819200x80xf32, #tpu.memory_space<hbm>> -> memref<128x80xf32, #tpu.memory_space<hbm>>
      tpu.wait_dma2 semaphore(%arg26 : memref<!tpu.dma_semaphore, #tpu.memory_space<semaphore_mem>>) src(%arg14 : memref<128x80xf32, #tpu.memory_space<vmem>>) dst(%dma_wait3A_172 : memref<128x80xf32, #tpu.memory_space<hbm>>)
      %scan3A_173 = arith.constant 0 : i32
      %scan3A_174 = arith.constant 0 : i32
      %scan3A_175 = arith.constant 128 : i32
      %scan3A_176 = arith.addi %scan3A_174, %scan3A_175 : i32
      %scan3A_177 = arith.constant 4 : i32
      scf.for %scan3A_219 = %scan3A_174 to %scan3A_176 step %scan3A_177  : i32 {
        %get3A_220 = arith.index_cast %scan3A_219 : i32 to index
        %get3A_221 = arith.constant 0 : index
        %get3A_222 = tpu.vector_load %arg12[%get3A_220, %get3A_221] {strides = array<i32>} : memref<128x128xf32, #tpu.memory_space<vmem>>, vector<16xf32>,
        %swap3A = arith.index_cast %scan3A_219 : i32 to index
        %swap3A_223 = arith.constant 0 : index
        %swap3A_224 = tpu.vector_load %arg14[%swap3A, %swap3A_223] {strides = array<i32>} : memref<128x80xf32, #tpu.memory_space<vmem>>, vector<16xf32>,
        tpu.vector_store %arg14[%swap3A, %swap3A_223], %get3A_222 {strides = array<i32>} : memref<128x80xf32, #tpu.memory_space<vmem>>, vector<16xf32>,
        %get3A_225 = arith.index_cast %scan3A_219 : i32 to index
        %get3A_226 = arith.constant 16 : index
        %get3A_227 = tpu.vector_load %arg12[%get3A_225, %get3A_226] {strides = array<i32>} : memref<128x128xf32, #tpu.memory_space<vmem>>, vector<16xf32>,
        %swap3A_228 = arith.index_cast %scan3A_219 : i32 to index
        %swap3A_229 = arith.constant 16 : index
        %swap3A_230 = tpu.vector_load %arg14[%swap3A_228, %swap3A_229] {strides = array<i32>} : memref<128x80xf32, #tpu.memory_space<vmem>>, vector<16xf32>,
        tpu.vector_store %arg14[%swap3A_228, %swap3A_229], %get3A_227 {strides = array<i32>} : memref<128x80xf32, #tpu.memory_space<vmem>>, vector<16xf32>,
        %get3A_231 = arith.index_cast %scan3A_219 : i32 to index
        %get3A_232 = arith.constant 0 : index
        %get3A_233 = tpu.vector_load %arg13[%get3A_231, %get3A_232] {strides = array<i32>} : memref<128x128xf32, #tpu.memory_space<vmem>>, vector<16xf32>,
        %swap3A_234 = arith.index_cast %scan3A_219 : i32 to index
        %swap3A_235 = arith.constant 32 : index
        %swap3A_236 = tpu.vector_load %arg14[%swap3A_234, %swap3A_235] {strides = array<i32>} : memref<128x80xf32, #tpu.memory_space<vmem>>, vector<16xf32>,
        tpu.vector_store %arg14[%swap3A_234, %swap3A_235], %get3A_233 {strides = array<i32>} : memref<128x80xf32, #tpu.memory_space<vmem>>, vector<16xf32>,
        %get3A_237 = arith.index_cast %scan3A_219 : i32 to index
        %get3A_238 = arith.constant 16 : index
        %get3A_239 = tpu.vector_load %arg13[%get3A_237, %get3A_238] {strides = array<i32>} : memref<128x128xf32, #tpu.memory_space<vmem>>, vector<16xf32>,
        %swap3A_240 = arith.index_cast %scan3A_219 : i32 to index
        %swap3A_241 = arith.constant 48 : index
        %swap3A_242 = tpu.vector_load %arg14[%swap3A_240, %swap3A_241] {strides = array<i32>} : memref<128x80xf32, #tpu.memory_space<vmem>>, vector<16xf32>,
        tpu.vector_store %arg14[%swap3A_240, %swap3A_241], %get3A_239 {strides = array<i32>} : memref<128x80xf32, #tpu.memory_space<vmem>>, vector<16xf32>,
        %broadcast_in_dim3A = vector.broadcast %scan3A_219 : i32 to vector<16xi32>
        %add3A_243 = arith.constant 256 : i32
        %add3A_244 = vector.broadcast %add3A_243 : i32 to vector<16xi32>
        %add3A_245 = arith.addi %broadcast_in_dim3A, %add3A_244 : vector<16xi32>
        %gather3A = tpu.vector_load_idx %arg10[%add3A_245] : memref<384xi32, #tpu.memory_space<vmem>>[vector<16xi32>], vector<16xi32>,
        %bitcast3A = vector.bitcast %gather3A : vector<16xi32> to vector<16xf32>
        %mul3A_246 = arith.mulf %bitcast3A, %get3A_3 : vector<16xf32>
        %add3A_247 = arith.addf %mul3A_246, %get3A_5 : vector<16xf32>
        %swap3A_248 = arith.index_cast %scan3A_219 : i32 to index
        %swap3A_249 = arith.constant 64 : index
        %swap3A_250 = tpu.vector_load %arg14[%swap3A_248, %swap3A_249] {strides = array<i32>} : memref<128x80xf32, #tpu.memory_space<vmem>>, vector<16xf32>,
        tpu.vector_store %arg14[%swap3A_248, %swap3A_249], %add3A_247 {strides = array<i32>} : memref<128x80xf32, #tpu.memory_space<vmem>>, vector<16xf32>,
        %scan3A_251 = arith.constant 1 : i32
        %scan3A_252 = arith.addi %scan3A_219, %scan3A_251 : i32
        %get3A_253 = arith.index_cast %scan3A_252 : i32 to index
        %get3A_254 = arith.constant 0 : index
        %get3A_255 = tpu.vector_load %arg12[%get3A_253, %get3A_254] {strides = array<i32>} : memref<128x128xf32, #tpu.memory_space<vmem>>, vector<16xf32>,
        %swap3A_256 = arith.index_cast %scan3A_252 : i32 to index
        %swap3A_257 = arith.constant 0 : index
        %swap3A_258 = tpu.vector_load %arg14[%swap3A_256, %swap3A_257] {strides = array<i32>} : memref<128x80xf32, #tpu.memory_space<vmem>>, vector<16xf32>,
        tpu.vector_store %arg14[%swap3A_256, %swap3A_257], %get3A_255 {strides = array<i32>} : memref<128x80xf32, #tpu.memory_space<vmem>>, vector<16xf32>,
        %get3A_259 = arith.index_cast %scan3A_252 : i32 to index
        %get3A_260 = arith.constant 16 : index
        %get3A_261 = tpu.vector_load %arg12[%get3A_259, %get3A_260] {strides = array<i32>} : memref<128x128xf32, #tpu.memory_space<vmem>>, vector<16xf32>,
        %swap3A_262 = arith.index_cast %scan3A_252 : i32 to index
        %swap3A_263 = arith.constant 16 : index
        %swap3A_264 = tpu.vector_load %arg14[%swap3A_262, %swap3A_263] {strides = array<i32>} : memref<128x80xf32, #tpu.memory_space<vmem>>, vector<16xf32>,
        tpu.vector_store %arg14[%swap3A_262, %swap3A_263], %get3A_261 {strides = array<i32>} : memref<128x80xf32, #tpu.memory_space<vmem>>, vector<16xf32>,
        %get3A_265 = arith.index_cast %scan3A_252 : i32 to index
        %get3A_266 = arith.constant 0 : index
        %get3A_267 = tpu.vector_load %arg13[%get3A_265, %get3A_266] {strides = array<i32>} : memref<128x128xf32, #tpu.memory_space<vmem>>, vector<16xf32>,
        %swap3A_268 = arith.index_cast %scan3A_252 : i32 to index
        %swap3A_269 = arith.constant 32 : index
        %swap3A_270 = tpu.vector_load %arg14[%swap3A_268, %swap3A_269] {strides = array<i32>} : memref<128x80xf32, #tpu.memory_space<vmem>>, vector<16xf32>,
        tpu.vector_store %arg14[%swap3A_268, %swap3A_269], %get3A_267 {strides = array<i32>} : memref<128x80xf32, #tpu.memory_space<vmem>>, vector<16xf32>,
        %get3A_271 = arith.index_cast %scan3A_252 : i32 to index
        %get3A_272 = arith.constant 16 : index
        %get3A_273 = tpu.vector_load %arg13[%get3A_271, %get3A_272] {strides = array<i32>} : memref<128x128xf32, #tpu.memory_space<vmem>>, vector<16xf32>,
        %swap3A_274 = arith.index_cast %scan3A_252 : i32 to index
        %swap3A_275 = arith.constant 48 : index
        %swap3A_276 = tpu.vector_load %arg14[%swap3A_274, %swap3A_275] {strides = array<i32>} : memref<128x80xf32, #tpu.memory_space<vmem>>, vector<16xf32>,
        tpu.vector_store %arg14[%swap3A_274, %swap3A_275], %get3A_273 {strides = array<i32>} : memref<128x80xf32, #tpu.memory_space<vmem>>, vector<16xf32>,
        %broadcast_in_dim3A_277 = vector.broadcast %scan3A_252 : i32 to vector<16xi32>
        %add3A_278 = arith.constant 256 : i32
        %add3A_279 = vector.broadcast %add3A_278 : i32 to vector<16xi32>
        %add3A_280 = arith.addi %broadcast_in_dim3A_277, %add3A_279 : vector<16xi32>
        %gather3A_281 = tpu.vector_load_idx %arg10[%add3A_280] : memref<384xi32, #tpu.memory_space<vmem>>[vector<16xi32>], vector<16xi32>,
        %bitcast3A_282 = vector.bitcast %gather3A_281 : vector<16xi32> to vector<16xf32>
        %mul3A_283 = arith.mulf %bitcast3A_282, %get3A_3 : vector<16xf32>
        %add3A_284 = arith.addf %mul3A_283, %get3A_5 : vector<16xf32>
        %swap3A_285 = arith.index_cast %scan3A_252 : i32 to index
        %swap3A_286 = arith.constant 64 : index
        %swap3A_287 = tpu.vector_load %arg14[%swap3A_285, %swap3A_286] {strides = array<i32>} : memref<128x80xf32, #tpu.memory_space<vmem>>, vector<16xf32>,
        tpu.vector_store %arg14[%swap3A_285, %swap3A_286], %add3A_284 {strides = array<i32>} : memref<128x80xf32, #tpu.memory_space<vmem>>, vector<16xf32>,
        %scan3A_288 = arith.constant 2 : i32
        %scan3A_289 = arith.addi %scan3A_219, %scan3A_288 : i32
        %get3A_290 = arith.index_cast %scan3A_289 : i32 to index
        %get3A_291 = arith.constant 0 : index
        %get3A_292 = tpu.vector_load %arg12[%get3A_290, %get3A_291] {strides = array<i32>} : memref<128x128xf32, #tpu.memory_space<vmem>>, vector<16xf32>,
        %swap3A_293 = arith.index_cast %scan3A_289 : i32 to index
        %swap3A_294 = arith.constant 0 : index
        %swap3A_295 = tpu.vector_load %arg14[%swap3A_293, %swap3A_294] {strides = array<i32>} : memref<128x80xf32, #tpu.memory_space<vmem>>, vector<16xf32>,
        tpu.vector_store %arg14[%swap3A_293, %swap3A_294], %get3A_292 {strides = array<i32>} : memref<128x80xf32, #tpu.memory_space<vmem>>, vector<16xf32>,
        %get3A_296 = arith.index_cast %scan3A_289 : i32 to index
        %get3A_297 = arith.constant 16 : index
        %get3A_298 = tpu.vector_load %arg12[%get3A_296, %get3A_297] {strides = array<i32>} : memref<128x128xf32, #tpu.memory_space<vmem>>, vector<16xf32>,
        %swap3A_299 = arith.index_cast %scan3A_289 : i32 to index
        %swap3A_300 = arith.constant 16 : index
        %swap3A_301 = tpu.vector_load %arg14[%swap3A_299, %swap3A_300] {strides = array<i32>} : memref<128x80xf32, #tpu.memory_space<vmem>>, vector<16xf32>,
        tpu.vector_store %arg14[%swap3A_299, %swap3A_300], %get3A_298 {strides = array<i32>} : memref<128x80xf32, #tpu.memory_space<vmem>>, vector<16xf32>,
        %get3A_302 = arith.index_cast %scan3A_289 : i32 to index
        %get3A_303 = arith.constant 0 : index
        %get3A_304 = tpu.vector_load %arg13[%get3A_302, %get3A_303] {strides = array<i32>} : memref<128x128xf32, #tpu.memory_space<vmem>>, vector<16xf32>,
        %swap3A_305 = arith.index_cast %scan3A_289 : i32 to index
        %swap3A_306 = arith.constant 32 : index
        %swap3A_307 = tpu.vector_load %arg14[%swap3A_305, %swap3A_306] {strides = array<i32>} : memref<128x80xf32, #tpu.memory_space<vmem>>, vector<16xf32>,
        tpu.vector_store %arg14[%swap3A_305, %swap3A_306], %get3A_304 {strides = array<i32>} : memref<128x80xf32, #tpu.memory_space<vmem>>, vector<16xf32>,
        %get3A_308 = arith.index_cast %scan3A_289 : i32 to index
        %get3A_309 = arith.constant 16 : index
        %get3A_310 = tpu.vector_load %arg13[%get3A_308, %get3A_309] {strides = array<i32>} : memref<128x128xf32, #tpu.memory_space<vmem>>, vector<16xf32>,
        %swap3A_311 = arith.index_cast %scan3A_289 : i32 to index
        %swap3A_312 = arith.constant 48 : index
        %swap3A_313 = tpu.vector_load %arg14[%swap3A_311, %swap3A_312] {strides = array<i32>} : memref<128x80xf32, #tpu.memory_space<vmem>>, vector<16xf32>,
        tpu.vector_store %arg14[%swap3A_311, %swap3A_312], %get3A_310 {strides = array<i32>} : memref<128x80xf32, #tpu.memory_space<vmem>>, vector<16xf32>,
        %broadcast_in_dim3A_314 = vector.broadcast %scan3A_289 : i32 to vector<16xi32>
        %add3A_315 = arith.constant 256 : i32
        %add3A_316 = vector.broadcast %add3A_315 : i32 to vector<16xi32>
        %add3A_317 = arith.addi %broadcast_in_dim3A_314, %add3A_316 : vector<16xi32>
        %gather3A_318 = tpu.vector_load_idx %arg10[%add3A_317] : memref<384xi32, #tpu.memory_space<vmem>>[vector<16xi32>], vector<16xi32>,
        %bitcast3A_319 = vector.bitcast %gather3A_318 : vector<16xi32> to vector<16xf32>
        %mul3A_320 = arith.mulf %bitcast3A_319, %get3A_3 : vector<16xf32>
        %add3A_321 = arith.addf %mul3A_320, %get3A_5 : vector<16xf32>
        %swap3A_322 = arith.index_cast %scan3A_289 : i32 to index
        %swap3A_323 = arith.constant 64 : index
        %swap3A_324 = tpu.vector_load %arg14[%swap3A_322, %swap3A_323] {strides = array<i32>} : memref<128x80xf32, #tpu.memory_space<vmem>>, vector<16xf32>,
        tpu.vector_store %arg14[%swap3A_322, %swap3A_323], %add3A_321 {strides = array<i32>} : memref<128x80xf32, #tpu.memory_space<vmem>>, vector<16xf32>,
        %scan3A_325 = arith.constant 3 : i32
        %scan3A_326 = arith.addi %scan3A_219, %scan3A_325 : i32
        %get3A_327 = arith.index_cast %scan3A_326 : i32 to index
        %get3A_328 = arith.constant 0 : index
        %get3A_329 = tpu.vector_load %arg12[%get3A_327, %get3A_328] {strides = array<i32>} : memref<128x128xf32, #tpu.memory_space<vmem>>, vector<16xf32>,
        %swap3A_330 = arith.index_cast %scan3A_326 : i32 to index
        %swap3A_331 = arith.constant 0 : index
        %swap3A_332 = tpu.vector_load %arg14[%swap3A_330, %swap3A_331] {strides = array<i32>} : memref<128x80xf32, #tpu.memory_space<vmem>>, vector<16xf32>,
        tpu.vector_store %arg14[%swap3A_330, %swap3A_331], %get3A_329 {strides = array<i32>} : memref<128x80xf32, #tpu.memory_space<vmem>>, vector<16xf32>,
        %get3A_333 = arith.index_cast %scan3A_326 : i32 to index
        %get3A_334 = arith.constant 16 : index
        %get3A_335 = tpu.vector_load %arg12[%get3A_333, %get3A_334] {strides = array<i32>} : memref<128x128xf32, #tpu.memory_space<vmem>>, vector<16xf32>,
        %swap3A_336 = arith.index_cast %scan3A_326 : i32 to index
        %swap3A_337 = arith.constant 16 : index
        %swap3A_338 = tpu.vector_load %arg14[%swap3A_336, %swap3A_337] {strides = array<i32>} : memref<128x80xf32, #tpu.memory_space<vmem>>, vector<16xf32>,
        tpu.vector_store %arg14[%swap3A_336, %swap3A_337], %get3A_335 {strides = array<i32>} : memref<128x80xf32, #tpu.memory_space<vmem>>, vector<16xf32>,
        %get3A_339 = arith.index_cast %scan3A_326 : i32 to index
        %get3A_340 = arith.constant 0 : index
        %get3A_341 = tpu.vector_load %arg13[%get3A_339, %get3A_340] {strides = array<i32>} : memref<128x128xf32, #tpu.memory_space<vmem>>, vector<16xf32>,
        %swap3A_342 = arith.index_cast %scan3A_326 : i32 to index
        %swap3A_343 = arith.constant 32 : index
        %swap3A_344 = tpu.vector_load %arg14[%swap3A_342, %swap3A_343] {strides = array<i32>} : memref<128x80xf32, #tpu.memory_space<vmem>>, vector<16xf32>,
        tpu.vector_store %arg14[%swap3A_342, %swap3A_343], %get3A_341 {strides = array<i32>} : memref<128x80xf32, #tpu.memory_space<vmem>>, vector<16xf32>,
        %get3A_345 = arith.index_cast %scan3A_326 : i32 to index
        %get3A_346 = arith.constant 16 : index
        %get3A_347 = tpu.vector_load %arg13[%get3A_345, %get3A_346] {strides = array<i32>} : memref<128x128xf32, #tpu.memory_space<vmem>>, vector<16xf32>,
        %swap3A_348 = arith.index_cast %scan3A_326 : i32 to index
        %swap3A_349 = arith.constant 48 : index
        %swap3A_350 = tpu.vector_load %arg14[%swap3A_348, %swap3A_349] {strides = array<i32>} : memref<128x80xf32, #tpu.memory_space<vmem>>, vector<16xf32>,
        tpu.vector_store %arg14[%swap3A_348, %swap3A_349], %get3A_347 {strides = array<i32>} : memref<128x80xf32, #tpu.memory_space<vmem>>, vector<16xf32>,
        %broadcast_in_dim3A_351 = vector.broadcast %scan3A_326 : i32 to vector<16xi32>
        %add3A_352 = arith.constant 256 : i32
        %add3A_353 = vector.broadcast %add3A_352 : i32 to vector<16xi32>
        %add3A_354 = arith.addi %broadcast_in_dim3A_351, %add3A_353 : vector<16xi32>
        %gather3A_355 = tpu.vector_load_idx %arg10[%add3A_354] : memref<384xi32, #tpu.memory_space<vmem>>[vector<16xi32>], vector<16xi32>,
        %bitcast3A_356 = vector.bitcast %gather3A_355 : vector<16xi32> to vector<16xf32>
        %mul3A_357 = arith.mulf %bitcast3A_356, %get3A_3 : vector<16xf32>
        %add3A_358 = arith.addf %mul3A_357, %get3A_5 : vector<16xf32>
        %swap3A_359 = arith.index_cast %scan3A_326 : i32 to index
        %swap3A_360 = arith.constant 64 : index
        %swap3A_361 = tpu.vector_load %arg14[%swap3A_359, %swap3A_360] {strides = array<i32>} : memref<128x80xf32, #tpu.memory_space<vmem>>, vector<16xf32>,
        tpu.vector_store %arg14[%swap3A_359, %swap3A_360], %add3A_358 {strides = array<i32>} : memref<128x80xf32, #tpu.memory_space<vmem>>, vector<16xf32>,
      }
      %scan3A_178 = arith.constant 128 : i32
      %dma_start3A_179 = arith.constant 0 : i32
      %dma_start3A_180 = tpu.memref_slice %arg7[%mul3A_156, %dma_start3A_179] : memref<819200x80xf32, #tpu.memory_space<hbm>> -> memref<128x80xf32, #tpu.memory_space<hbm>>
      %dma_start3A_181 = arith.constant 0 : i32
      %dma_start3A_182 = tpu.memref_slice %arg7[%mul3A_156, %dma_start3A_181] : memref<819200x80xf32, #tpu.memory_space<hbm>> -> memref<128x80xf32, #tpu.memory_space<hbm>>
      tpu.enqueue_dma source(%arg14 : memref<128x80xf32, #tpu.memory_space<vmem>>) target(%dma_start3A_182 : memref<128x80xf32, #tpu.memory_space<hbm>>) target_semaphore(%arg26 : memref<!tpu.dma_semaphore, #tpu.memory_space<semaphore_mem>>)
      %convert_element_type3A_183 = arith.extui %lt3A_63 : i1 to i32
      %cond3A_184 = arith.constant 0 : i32
      %cond3A_185 = arith.cmpi ne, %convert_element_type3A_183, %cond3A_184 : i32
      scf.if %cond3A_185 {
        %add3A_219 = arith.constant 6 : i32
        %add3A_220 = arith.addi %add3A_62, %add3A_219 : i32
        %mul3A_221 = arith.constant 384 : i32
        %mul3A_222 = arith.muli %add3A_220, %mul3A_221 : i32
        %dma_start3A_223 = tpu.memref_slice %arg2[%mul3A_222] : memref<2457600xi32, #tpu.memory_space<hbm>> -> memref<384xi32, #tpu.memory_space<hbm>>
        %dma_start3A_224 = tpu.memref_slice %arg2[%mul3A_222] : memref<2457600xi32, #tpu.memory_space<hbm>> -> memref<384xi32, #tpu.memory_space<hbm>>
        tpu.enqueue_dma source(%dma_start3A_224 : memref<384xi32, #tpu.memory_space<hbm>>) target(%arg10 : memref<384xi32, #tpu.memory_space<vmem>>) target_semaphore(%arg22 : memref<!tpu.dma_semaphore, #tpu.memory_space<semaphore_mem>>)
        %dma_wait3A_225 = arith.constant 0 : i32
        %dma_wait3A_226 = tpu.memref_slice %arg2[%dma_wait3A_225] : memref<2457600xi32, #tpu.memory_space<hbm>> -> memref<384xi32, #tpu.memory_space<hbm>>
        %dma_wait3A_227 = arith.constant 0 : i32
        %dma_wait3A_228 = tpu.memref_slice %arg2[%dma_wait3A_227] : memref<2457600xi32, #tpu.memory_space<hbm>> -> memref<384xi32, #tpu.memory_space<hbm>>
        tpu.wait_dma2 semaphore(%arg20 : memref<!tpu.dma_semaphore, #tpu.memory_space<semaphore_mem>>) src(%dma_wait3A_228 : memref<384xi32, #tpu.memory_space<hbm>>) dst(%arg8 : memref<384xi32, #tpu.memory_space<vmem>>)
        %dma_start3A_229 = arith.constant 0 : i32
        %dma_start3A_230 = tpu.memref_slice %arg8[%dma_start3A_229] : memref<384xi32, #tpu.memory_space<vmem>> -> memref<128xi32, #tpu.memory_space<vmem>>
        %dma_start3A_231 = arith.constant 0 : i32
        %dma_start3A_232 = arith.constant 0 : i32
        %dma_start3A_233 = tpu.memref_slice %arg3[%dma_start3A_231, %dma_start3A_232] : memref<1000001x128xf32, #tpu.memory_space<hbm>> -> memref<1000001x128xf32, #tpu.memory_space<hbm>>
        tpu.enqueue_indirect_dma source(%dma_start3A_233 : memref<1000001x128xf32, #tpu.memory_space<hbm>>) target(%arg12 : memref<128x128xf32, #tpu.memory_space<vmem>>) offsets(%dma_start3A_230 : memref<128xi32, #tpu.memory_space<vmem>>) semaphore(%arg24 : memref<!tpu.dma_semaphore, #tpu.memory_space<semaphore_mem>>)
        %dma_start3A_234 = arith.constant 128 : i32
        %dma_start3A_235 = tpu.memref_slice %arg8[%dma_start3A_234] : memref<384xi32, #tpu.memory_space<vmem>> -> memref<128xi32, #tpu.memory_space<vmem>>
        %dma_start3A_236 = arith.constant 0 : i32
        %dma_start3A_237 = arith.constant 0 : i32
        %dma_start3A_238 = tpu.memref_slice %arg4[%dma_start3A_236, %dma_start3A_237] : memref<100001x128xf32, #tpu.memory_space<hbm>> -> memref<100001x128xf32, #tpu.memory_space<hbm>>
        tpu.enqueue_indirect_dma source(%dma_start3A_238 : memref<100001x128xf32, #tpu.memory_space<hbm>>) target(%arg13 : memref<128x128xf32, #tpu.memory_space<vmem>>) offsets(%dma_start3A_235 : memref<128xi32, #tpu.memory_space<vmem>>) semaphore(%arg24 : memref<!tpu.dma_semaphore, #tpu.memory_space<semaphore_mem>>)
      } else {
      }
      %add3A_186 = arith.constant 3 : i32
      %add3A_187 = arith.addi %add3A_62, %add3A_186 : i32
      %mul3A_188 = arith.constant 128 : i32
      %mul3A_189 = arith.muli %add3A_187, %mul3A_188 : i32
      %dma_wait3A_190 = arith.constant 0 : i32
      %dma_wait3A_191 = arith.constant 0 : i32
      %dma_wait3A_192 = tpu.memref_slice %arg3[%dma_wait3A_190, %dma_wait3A_191] : memref<1000001x128xf32, #tpu.memory_space<hbm>> -> memref<128x128xf32, #tpu.memory_space<hbm>>
      %dma_wait3A_193 = arith.constant 0 : i32
      %dma_wait3A_194 = arith.constant 0 : i32
      %dma_wait3A_195 = tpu.memref_slice %arg3[%dma_wait3A_193, %dma_wait3A_194] : memref<1000001x128xf32, #tpu.memory_space<hbm>> -> memref<128x128xf32, #tpu.memory_space<hbm>>
      tpu.wait_dma2 semaphore(%arg25 : memref<!tpu.dma_semaphore, #tpu.memory_space<semaphore_mem>>) src(%dma_wait3A_195 : memref<128x128xf32, #tpu.memory_space<hbm>>) dst(%arg15 : memref<128x128xf32, #tpu.memory_space<vmem>>)
      %dma_wait3A_196 = arith.constant 0 : i32
      %dma_wait3A_197 = arith.constant 0 : i32
      %dma_wait3A_198 = tpu.memref_slice %arg4[%dma_wait3A_196, %dma_wait3A_197] : memref<100001x128xf32, #tpu.memory_space<hbm>> -> memref<128x128xf32, #tpu.memory_space<hbm>>
      %dma_wait3A_199 = arith.constant 0 : i32
      %dma_wait3A_200 = arith.constant 0 : i32
      %dma_wait3A_201 = tpu.memref_slice %arg4[%dma_wait3A_199, %dma_wait3A_200] : memref<100001x128xf32, #tpu.memory_space<hbm>> -> memref<128x128xf32, #tpu.memory_space<hbm>>
      tpu.wait_dma2 semaphore(%arg25 : memref<!tpu.dma_semaphore, #tpu.memory_space<semaphore_mem>>) src(%dma_wait3A_201 : memref<128x128xf32, #tpu.memory_space<hbm>>) dst(%arg16 : memref<128x128xf32, #tpu.memory_space<vmem>>)
      %dma_wait3A_202 = arith.constant 0 : i32
      %dma_wait3A_203 = tpu.memref_slice %arg7[%mul3A_189, %dma_wait3A_202] : memref<819200x80xf32, #tpu.memory_space<hbm>> -> memref<128x80xf32, #tpu.memory_space<hbm>>
      %dma_wait3A_204 = arith.constant 0 : i32
      %dma_wait3A_205 = tpu.memref_slice %arg7[%mul3A_189, %dma_wait3A_204] : memref<819200x80xf32, #tpu.memory_space<hbm>> -> memref<128x80xf32, #tpu.memory_space<hbm>>
      tpu.wait_dma2 semaphore(%arg27 : memref<!tpu.dma_semaphore, #tpu.memory_space<semaphore_mem>>) src(%arg17 : memref<128x80xf32, #tpu.memory_space<vmem>>) dst(%dma_wait3A_205 : memref<128x80xf32, #tpu.memory_space<hbm>>)
      %scan3A_206 = arith.constant 0 : i32
      %scan3A_207 = arith.constant 0 : i32
      %scan3A_208 = arith.constant 128 : i32
      %scan3A_209 = arith.addi %scan3A_207, %scan3A_208 : i32
      %scan3A_210 = arith.constant 4 : i32
      scf.for %scan3A_219 = %scan3A_207 to %scan3A_209 step %scan3A_210  : i32 {
        %get3A_220 = arith.index_cast %scan3A_219 : i32 to index
        %get3A_221 = arith.constant 0 : index
        %get3A_222 = tpu.vector_load %arg15[%get3A_220, %get3A_221] {strides = array<i32>} : memref<128x128xf32, #tpu.memory_space<vmem>>, vector<16xf32>,
        %swap3A = arith.index_cast %scan3A_219 : i32 to index
        %swap3A_223 = arith.constant 0 : index
        %swap3A_224 = tpu.vector_load %arg17[%swap3A, %swap3A_223] {strides = array<i32>} : memref<128x80xf32, #tpu.memory_space<vmem>>, vector<16xf32>,
        tpu.vector_store %arg17[%swap3A, %swap3A_223], %get3A_222 {strides = array<i32>} : memref<128x80xf32, #tpu.memory_space<vmem>>, vector<16xf32>,
        %get3A_225 = arith.index_cast %scan3A_219 : i32 to index
        %get3A_226 = arith.constant 16 : index
        %get3A_227 = tpu.vector_load %arg15[%get3A_225, %get3A_226] {strides = array<i32>} : memref<128x128xf32, #tpu.memory_space<vmem>>, vector<16xf32>,
        %swap3A_228 = arith.index_cast %scan3A_219 : i32 to index
        %swap3A_229 = arith.constant 16 : index
        %swap3A_230 = tpu.vector_load %arg17[%swap3A_228, %swap3A_229] {strides = array<i32>} : memref<128x80xf32, #tpu.memory_space<vmem>>, vector<16xf32>,
        tpu.vector_store %arg17[%swap3A_228, %swap3A_229], %get3A_227 {strides = array<i32>} : memref<128x80xf32, #tpu.memory_space<vmem>>, vector<16xf32>,
        %get3A_231 = arith.index_cast %scan3A_219 : i32 to index
        %get3A_232 = arith.constant 0 : index
        %get3A_233 = tpu.vector_load %arg16[%get3A_231, %get3A_232] {strides = array<i32>} : memref<128x128xf32, #tpu.memory_space<vmem>>, vector<16xf32>,
        %swap3A_234 = arith.index_cast %scan3A_219 : i32 to index
        %swap3A_235 = arith.constant 32 : index
        %swap3A_236 = tpu.vector_load %arg17[%swap3A_234, %swap3A_235] {strides = array<i32>} : memref<128x80xf32, #tpu.memory_space<vmem>>, vector<16xf32>,
        tpu.vector_store %arg17[%swap3A_234, %swap3A_235], %get3A_233 {strides = array<i32>} : memref<128x80xf32, #tpu.memory_space<vmem>>, vector<16xf32>,
        %get3A_237 = arith.index_cast %scan3A_219 : i32 to index
        %get3A_238 = arith.constant 16 : index
        %get3A_239 = tpu.vector_load %arg16[%get3A_237, %get3A_238] {strides = array<i32>} : memref<128x128xf32, #tpu.memory_space<vmem>>, vector<16xf32>,
        %swap3A_240 = arith.index_cast %scan3A_219 : i32 to index
        %swap3A_241 = arith.constant 48 : index
        %swap3A_242 = tpu.vector_load %arg17[%swap3A_240, %swap3A_241] {strides = array<i32>} : memref<128x80xf32, #tpu.memory_space<vmem>>, vector<16xf32>,
        tpu.vector_store %arg17[%swap3A_240, %swap3A_241], %get3A_239 {strides = array<i32>} : memref<128x80xf32, #tpu.memory_space<vmem>>, vector<16xf32>,
        %broadcast_in_dim3A = vector.broadcast %scan3A_219 : i32 to vector<16xi32>
        %add3A_243 = arith.constant 256 : i32
        %add3A_244 = vector.broadcast %add3A_243 : i32 to vector<16xi32>
        %add3A_245 = arith.addi %broadcast_in_dim3A, %add3A_244 : vector<16xi32>
        %gather3A = tpu.vector_load_idx %arg11[%add3A_245] : memref<384xi32, #tpu.memory_space<vmem>>[vector<16xi32>], vector<16xi32>,
        %bitcast3A = vector.bitcast %gather3A : vector<16xi32> to vector<16xf32>
        %mul3A_246 = arith.mulf %bitcast3A, %get3A_3 : vector<16xf32>
        %add3A_247 = arith.addf %mul3A_246, %get3A_5 : vector<16xf32>
        %swap3A_248 = arith.index_cast %scan3A_219 : i32 to index
        %swap3A_249 = arith.constant 64 : index
        %swap3A_250 = tpu.vector_load %arg17[%swap3A_248, %swap3A_249] {strides = array<i32>} : memref<128x80xf32, #tpu.memory_space<vmem>>, vector<16xf32>,
        tpu.vector_store %arg17[%swap3A_248, %swap3A_249], %add3A_247 {strides = array<i32>} : memref<128x80xf32, #tpu.memory_space<vmem>>, vector<16xf32>,
        %scan3A_251 = arith.constant 1 : i32
        %scan3A_252 = arith.addi %scan3A_219, %scan3A_251 : i32
        %get3A_253 = arith.index_cast %scan3A_252 : i32 to index
        %get3A_254 = arith.constant 0 : index
        %get3A_255 = tpu.vector_load %arg15[%get3A_253, %get3A_254] {strides = array<i32>} : memref<128x128xf32, #tpu.memory_space<vmem>>, vector<16xf32>,
        %swap3A_256 = arith.index_cast %scan3A_252 : i32 to index
        %swap3A_257 = arith.constant 0 : index
        %swap3A_258 = tpu.vector_load %arg17[%swap3A_256, %swap3A_257] {strides = array<i32>} : memref<128x80xf32, #tpu.memory_space<vmem>>, vector<16xf32>,
        tpu.vector_store %arg17[%swap3A_256, %swap3A_257], %get3A_255 {strides = array<i32>} : memref<128x80xf32, #tpu.memory_space<vmem>>, vector<16xf32>,
        %get3A_259 = arith.index_cast %scan3A_252 : i32 to index
        %get3A_260 = arith.constant 16 : index
        %get3A_261 = tpu.vector_load %arg15[%get3A_259, %get3A_260] {strides = array<i32>} : memref<128x128xf32, #tpu.memory_space<vmem>>, vector<16xf32>,
        %swap3A_262 = arith.index_cast %scan3A_252 : i32 to index
        %swap3A_263 = arith.constant 16 : index
        %swap3A_264 = tpu.vector_load %arg17[%swap3A_262, %swap3A_263] {strides = array<i32>} : memref<128x80xf32, #tpu.memory_space<vmem>>, vector<16xf32>,
        tpu.vector_store %arg17[%swap3A_262, %swap3A_263], %get3A_261 {strides = array<i32>} : memref<128x80xf32, #tpu.memory_space<vmem>>, vector<16xf32>,
        %get3A_265 = arith.index_cast %scan3A_252 : i32 to index
        %get3A_266 = arith.constant 0 : index
        %get3A_267 = tpu.vector_load %arg16[%get3A_265, %get3A_266] {strides = array<i32>} : memref<128x128xf32, #tpu.memory_space<vmem>>, vector<16xf32>,
        %swap3A_268 = arith.index_cast %scan3A_252 : i32 to index
        %swap3A_269 = arith.constant 32 : index
        %swap3A_270 = tpu.vector_load %arg17[%swap3A_268, %swap3A_269] {strides = array<i32>} : memref<128x80xf32, #tpu.memory_space<vmem>>, vector<16xf32>,
        tpu.vector_store %arg17[%swap3A_268, %swap3A_269], %get3A_267 {strides = array<i32>} : memref<128x80xf32, #tpu.memory_space<vmem>>, vector<16xf32>,
        %get3A_271 = arith.index_cast %scan3A_252 : i32 to index
        %get3A_272 = arith.constant 16 : index
        %get3A_273 = tpu.vector_load %arg16[%get3A_271, %get3A_272] {strides = array<i32>} : memref<128x128xf32, #tpu.memory_space<vmem>>, vector<16xf32>,
        %swap3A_274 = arith.index_cast %scan3A_252 : i32 to index
        %swap3A_275 = arith.constant 48 : index
        %swap3A_276 = tpu.vector_load %arg17[%swap3A_274, %swap3A_275] {strides = array<i32>} : memref<128x80xf32, #tpu.memory_space<vmem>>, vector<16xf32>,
        tpu.vector_store %arg17[%swap3A_274, %swap3A_275], %get3A_273 {strides = array<i32>} : memref<128x80xf32, #tpu.memory_space<vmem>>, vector<16xf32>,
        %broadcast_in_dim3A_277 = vector.broadcast %scan3A_252 : i32 to vector<16xi32>
        %add3A_278 = arith.constant 256 : i32
        %add3A_279 = vector.broadcast %add3A_278 : i32 to vector<16xi32>
        %add3A_280 = arith.addi %broadcast_in_dim3A_277, %add3A_279 : vector<16xi32>
        %gather3A_281 = tpu.vector_load_idx %arg11[%add3A_280] : memref<384xi32, #tpu.memory_space<vmem>>[vector<16xi32>], vector<16xi32>,
        %bitcast3A_282 = vector.bitcast %gather3A_281 : vector<16xi32> to vector<16xf32>
        %mul3A_283 = arith.mulf %bitcast3A_282, %get3A_3 : vector<16xf32>
        %add3A_284 = arith.addf %mul3A_283, %get3A_5 : vector<16xf32>
        %swap3A_285 = arith.index_cast %scan3A_252 : i32 to index
        %swap3A_286 = arith.constant 64 : index
        %swap3A_287 = tpu.vector_load %arg17[%swap3A_285, %swap3A_286] {strides = array<i32>} : memref<128x80xf32, #tpu.memory_space<vmem>>, vector<16xf32>,
        tpu.vector_store %arg17[%swap3A_285, %swap3A_286], %add3A_284 {strides = array<i32>} : memref<128x80xf32, #tpu.memory_space<vmem>>, vector<16xf32>,
        %scan3A_288 = arith.constant 2 : i32
        %scan3A_289 = arith.addi %scan3A_219, %scan3A_288 : i32
        %get3A_290 = arith.index_cast %scan3A_289 : i32 to index
        %get3A_291 = arith.constant 0 : index
        %get3A_292 = tpu.vector_load %arg15[%get3A_290, %get3A_291] {strides = array<i32>} : memref<128x128xf32, #tpu.memory_space<vmem>>, vector<16xf32>,
        %swap3A_293 = arith.index_cast %scan3A_289 : i32 to index
        %swap3A_294 = arith.constant 0 : index
        %swap3A_295 = tpu.vector_load %arg17[%swap3A_293, %swap3A_294] {strides = array<i32>} : memref<128x80xf32, #tpu.memory_space<vmem>>, vector<16xf32>,
        tpu.vector_store %arg17[%swap3A_293, %swap3A_294], %get3A_292 {strides = array<i32>} : memref<128x80xf32, #tpu.memory_space<vmem>>, vector<16xf32>,
        %get3A_296 = arith.index_cast %scan3A_289 : i32 to index
        %get3A_297 = arith.constant 16 : index
        %get3A_298 = tpu.vector_load %arg15[%get3A_296, %get3A_297] {strides = array<i32>} : memref<128x128xf32, #tpu.memory_space<vmem>>, vector<16xf32>,
        %swap3A_299 = arith.index_cast %scan3A_289 : i32 to index
        %swap3A_300 = arith.constant 16 : index
        %swap3A_301 = tpu.vector_load %arg17[%swap3A_299, %swap3A_300] {strides = array<i32>} : memref<128x80xf32, #tpu.memory_space<vmem>>, vector<16xf32>,
        tpu.vector_store %arg17[%swap3A_299, %swap3A_300], %get3A_298 {strides = array<i32>} : memref<128x80xf32, #tpu.memory_space<vmem>>, vector<16xf32>,
        %get3A_302 = arith.index_cast %scan3A_289 : i32 to index
        %get3A_303 = arith.constant 0 : index
        %get3A_304 = tpu.vector_load %arg16[%get3A_302, %get3A_303] {strides = array<i32>} : memref<128x128xf32, #tpu.memory_space<vmem>>, vector<16xf32>,
        %swap3A_305 = arith.index_cast %scan3A_289 : i32 to index
        %swap3A_306 = arith.constant 32 : index
        %swap3A_307 = tpu.vector_load %arg17[%swap3A_305, %swap3A_306] {strides = array<i32>} : memref<128x80xf32, #tpu.memory_space<vmem>>, vector<16xf32>,
        tpu.vector_store %arg17[%swap3A_305, %swap3A_306], %get3A_304 {strides = array<i32>} : memref<128x80xf32, #tpu.memory_space<vmem>>, vector<16xf32>,
        %get3A_308 = arith.index_cast %scan3A_289 : i32 to index
        %get3A_309 = arith.constant 16 : index
        %get3A_310 = tpu.vector_load %arg16[%get3A_308, %get3A_309] {strides = array<i32>} : memref<128x128xf32, #tpu.memory_space<vmem>>, vector<16xf32>,
        %swap3A_311 = arith.index_cast %scan3A_289 : i32 to index
        %swap3A_312 = arith.constant 48 : index
        %swap3A_313 = tpu.vector_load %arg17[%swap3A_311, %swap3A_312] {strides = array<i32>} : memref<128x80xf32, #tpu.memory_space<vmem>>, vector<16xf32>,
        tpu.vector_store %arg17[%swap3A_311, %swap3A_312], %get3A_310 {strides = array<i32>} : memref<128x80xf32, #tpu.memory_space<vmem>>, vector<16xf32>,
        %broadcast_in_dim3A_314 = vector.broadcast %scan3A_289 : i32 to vector<16xi32>
        %add3A_315 = arith.constant 256 : i32
        %add3A_316 = vector.broadcast %add3A_315 : i32 to vector<16xi32>
        %add3A_317 = arith.addi %broadcast_in_dim3A_314, %add3A_316 : vector<16xi32>
        %gather3A_318 = tpu.vector_load_idx %arg11[%add3A_317] : memref<384xi32, #tpu.memory_space<vmem>>[vector<16xi32>], vector<16xi32>,
        %bitcast3A_319 = vector.bitcast %gather3A_318 : vector<16xi32> to vector<16xf32>
        %mul3A_320 = arith.mulf %bitcast3A_319, %get3A_3 : vector<16xf32>
        %add3A_321 = arith.addf %mul3A_320, %get3A_5 : vector<16xf32>
        %swap3A_322 = arith.index_cast %scan3A_289 : i32 to index
        %swap3A_323 = arith.constant 64 : index
        %swap3A_324 = tpu.vector_load %arg17[%swap3A_322, %swap3A_323] {strides = array<i32>} : memref<128x80xf32, #tpu.memory_space<vmem>>, vector<16xf32>,
        tpu.vector_store %arg17[%swap3A_322, %swap3A_323], %add3A_321 {strides = array<i32>} : memref<128x80xf32, #tpu.memory_space<vmem>>, vector<16xf32>,
        %scan3A_325 = arith.constant 3 : i32
        %scan3A_326 = arith.addi %scan3A_219, %scan3A_325 : i32
        %get3A_327 = arith.index_cast %scan3A_326 : i32 to index
        %get3A_328 = arith.constant 0 : index
        %get3A_329 = tpu.vector_load %arg15[%get3A_327, %get3A_328] {strides = array<i32>} : memref<128x128xf32, #tpu.memory_space<vmem>>, vector<16xf32>,
        %swap3A_330 = arith.index_cast %scan3A_326 : i32 to index
        %swap3A_331 = arith.constant 0 : index
        %swap3A_332 = tpu.vector_load %arg17[%swap3A_330, %swap3A_331] {strides = array<i32>} : memref<128x80xf32, #tpu.memory_space<vmem>>, vector<16xf32>,
        tpu.vector_store %arg17[%swap3A_330, %swap3A_331], %get3A_329 {strides = array<i32>} : memref<128x80xf32, #tpu.memory_space<vmem>>, vector<16xf32>,
        %get3A_333 = arith.index_cast %scan3A_326 : i32 to index
        %get3A_334 = arith.constant 16 : index
        %get3A_335 = tpu.vector_load %arg15[%get3A_333, %get3A_334] {strides = array<i32>} : memref<128x128xf32, #tpu.memory_space<vmem>>, vector<16xf32>,
        %swap3A_336 = arith.index_cast %scan3A_326 : i32 to index
        %swap3A_337 = arith.constant 16 : index
        %swap3A_338 = tpu.vector_load %arg17[%swap3A_336, %swap3A_337] {strides = array<i32>} : memref<128x80xf32, #tpu.memory_space<vmem>>, vector<16xf32>,
        tpu.vector_store %arg17[%swap3A_336, %swap3A_337], %get3A_335 {strides = array<i32>} : memref<128x80xf32, #tpu.memory_space<vmem>>, vector<16xf32>,
        %get3A_339 = arith.index_cast %scan3A_326 : i32 to index
        %get3A_340 = arith.constant 0 : index
        %get3A_341 = tpu.vector_load %arg16[%get3A_339, %get3A_340] {strides = array<i32>} : memref<128x128xf32, #tpu.memory_space<vmem>>, vector<16xf32>,
        %swap3A_342 = arith.index_cast %scan3A_326 : i32 to index
        %swap3A_343 = arith.constant 32 : index
        %swap3A_344 = tpu.vector_load %arg17[%swap3A_342, %swap3A_343] {strides = array<i32>} : memref<128x80xf32, #tpu.memory_space<vmem>>, vector<16xf32>,
        tpu.vector_store %arg17[%swap3A_342, %swap3A_343], %get3A_341 {strides = array<i32>} : memref<128x80xf32, #tpu.memory_space<vmem>>, vector<16xf32>,
        %get3A_345 = arith.index_cast %scan3A_326 : i32 to index
        %get3A_346 = arith.constant 16 : index
        %get3A_347 = tpu.vector_load %arg16[%get3A_345, %get3A_346] {strides = array<i32>} : memref<128x128xf32, #tpu.memory_space<vmem>>, vector<16xf32>,
        %swap3A_348 = arith.index_cast %scan3A_326 : i32 to index
        %swap3A_349 = arith.constant 48 : index
        %swap3A_350 = tpu.vector_load %arg17[%swap3A_348, %swap3A_349] {strides = array<i32>} : memref<128x80xf32, #tpu.memory_space<vmem>>, vector<16xf32>,
        tpu.vector_store %arg17[%swap3A_348, %swap3A_349], %get3A_347 {strides = array<i32>} : memref<128x80xf32, #tpu.memory_space<vmem>>, vector<16xf32>,
        %broadcast_in_dim3A_351 = vector.broadcast %scan3A_326 : i32 to vector<16xi32>
        %add3A_352 = arith.constant 256 : i32
        %add3A_353 = vector.broadcast %add3A_352 : i32 to vector<16xi32>
        %add3A_354 = arith.addi %broadcast_in_dim3A_351, %add3A_353 : vector<16xi32>
        %gather3A_355 = tpu.vector_load_idx %arg11[%add3A_354] : memref<384xi32, #tpu.memory_space<vmem>>[vector<16xi32>], vector<16xi32>,
        %bitcast3A_356 = vector.bitcast %gather3A_355 : vector<16xi32> to vector<16xf32>
        %mul3A_357 = arith.mulf %bitcast3A_356, %get3A_3 : vector<16xf32>
        %add3A_358 = arith.addf %mul3A_357, %get3A_5 : vector<16xf32>
        %swap3A_359 = arith.index_cast %scan3A_326 : i32 to index
        %swap3A_360 = arith.constant 64 : index
        %swap3A_361 = tpu.vector_load %arg17[%swap3A_359, %swap3A_360] {strides = array<i32>} : memref<128x80xf32, #tpu.memory_space<vmem>>, vector<16xf32>,
        tpu.vector_store %arg17[%swap3A_359, %swap3A_360], %add3A_358 {strides = array<i32>} : memref<128x80xf32, #tpu.memory_space<vmem>>, vector<16xf32>,
      }
      %scan3A_211 = arith.constant 128 : i32
      %dma_start3A_212 = arith.constant 0 : i32
      %dma_start3A_213 = tpu.memref_slice %arg7[%mul3A_189, %dma_start3A_212] : memref<819200x80xf32, #tpu.memory_space<hbm>> -> memref<128x80xf32, #tpu.memory_space<hbm>>
      %dma_start3A_214 = arith.constant 0 : i32
      %dma_start3A_215 = tpu.memref_slice %arg7[%mul3A_189, %dma_start3A_214] : memref<819200x80xf32, #tpu.memory_space<hbm>> -> memref<128x80xf32, #tpu.memory_space<hbm>>
      tpu.enqueue_dma source(%arg17 : memref<128x80xf32, #tpu.memory_space<vmem>>) target(%dma_start3A_215 : memref<128x80xf32, #tpu.memory_space<hbm>>) target_semaphore(%arg27 : memref<!tpu.dma_semaphore, #tpu.memory_space<semaphore_mem>>)
      %convert_element_type3A_216 = arith.extui %lt3A_63 : i1 to i32
      %cond3A_217 = arith.constant 0 : i32
      %cond3A_218 = arith.cmpi ne, %convert_element_type3A_216, %cond3A_217 : i32
      scf.if %cond3A_218 {
        %add3A_219 = arith.constant 7 : i32
        %add3A_220 = arith.addi %add3A_62, %add3A_219 : i32
        %mul3A_221 = arith.constant 384 : i32
        %mul3A_222 = arith.muli %add3A_220, %mul3A_221 : i32
        %dma_start3A_223 = tpu.memref_slice %arg2[%mul3A_222] : memref<2457600xi32, #tpu.memory_space<hbm>> -> memref<384xi32, #tpu.memory_space<hbm>>
        %dma_start3A_224 = tpu.memref_slice %arg2[%mul3A_222] : memref<2457600xi32, #tpu.memory_space<hbm>> -> memref<384xi32, #tpu.memory_space<hbm>>
        tpu.enqueue_dma source(%dma_start3A_224 : memref<384xi32, #tpu.memory_space<hbm>>) target(%arg11 : memref<384xi32, #tpu.memory_space<vmem>>) target_semaphore(%arg23 : memref<!tpu.dma_semaphore, #tpu.memory_space<semaphore_mem>>)
        %dma_wait3A_225 = arith.constant 0 : i32
        %dma_wait3A_226 = tpu.memref_slice %arg2[%dma_wait3A_225] : memref<2457600xi32, #tpu.memory_space<hbm>> -> memref<384xi32, #tpu.memory_space<hbm>>
        %dma_wait3A_227 = arith.constant 0 : i32
        %dma_wait3A_228 = tpu.memref_slice %arg2[%dma_wait3A_227] : memref<2457600xi32, #tpu.memory_space<hbm>> -> memref<384xi32, #tpu.memory_space<hbm>>
        tpu.wait_dma2 semaphore(%arg21 : memref<!tpu.dma_semaphore, #tpu.memory_space<semaphore_mem>>) src(%dma_wait3A_228 : memref<384xi32, #tpu.memory_space<hbm>>) dst(%arg9 : memref<384xi32, #tpu.memory_space<vmem>>)
        %dma_start3A_229 = arith.constant 0 : i32
        %dma_start3A_230 = tpu.memref_slice %arg9[%dma_start3A_229] : memref<384xi32, #tpu.memory_space<vmem>> -> memref<128xi32, #tpu.memory_space<vmem>>
        %dma_start3A_231 = arith.constant 0 : i32
        %dma_start3A_232 = arith.constant 0 : i32
        %dma_start3A_233 = tpu.memref_slice %arg3[%dma_start3A_231, %dma_start3A_232] : memref<1000001x128xf32, #tpu.memory_space<hbm>> -> memref<1000001x128xf32, #tpu.memory_space<hbm>>
        tpu.enqueue_indirect_dma source(%dma_start3A_233 : memref<1000001x128xf32, #tpu.memory_space<hbm>>) target(%arg15 : memref<128x128xf32, #tpu.memory_space<vmem>>) offsets(%dma_start3A_230 : memref<128xi32, #tpu.memory_space<vmem>>) semaphore(%arg25 : memref<!tpu.dma_semaphore, #tpu.memory_space<semaphore_mem>>)
        %dma_start3A_234 = arith.constant 128 : i32
        %dma_start3A_235 = tpu.memref_slice %arg9[%dma_start3A_234] : memref<384xi32, #tpu.memory_space<vmem>> -> memref<128xi32, #tpu.memory_space<vmem>>
        %dma_start3A_236 = arith.constant 0 : i32
        %dma_start3A_237 = arith.constant 0 : i32
        %dma_start3A_238 = tpu.memref_slice %arg4[%dma_start3A_236, %dma_start3A_237] : memref<100001x128xf32, #tpu.memory_space<hbm>> -> memref<100001x128xf32, #tpu.memory_space<hbm>>
        tpu.enqueue_indirect_dma source(%dma_start3A_238 : memref<100001x128xf32, #tpu.memory_space<hbm>>) target(%arg16 : memref<128x128xf32, #tpu.memory_space<vmem>>) offsets(%dma_start3A_235 : memref<128xi32, #tpu.memory_space<vmem>>) semaphore(%arg25 : memref<!tpu.dma_semaphore, #tpu.memory_space<semaphore_mem>>)
      } else {
      }
    }
    %scan3A_47 = arith.constant 50 : i32
    %dma_wait3A = arith.constant 0 : i32
    %dma_wait3A_48 = arith.constant 0 : i32
    %dma_wait3A_49 = tpu.memref_slice %arg7[%dma_wait3A, %dma_wait3A_48] : memref<819200x80xf32, #tpu.memory_space<hbm>> -> memref<128x80xf32, #tpu.memory_space<hbm>>
    %dma_wait3A_50 = arith.constant 0 : i32
    %dma_wait3A_51 = arith.constant 0 : i32
    %dma_wait3A_52 = tpu.memref_slice %arg7[%dma_wait3A_50, %dma_wait3A_51] : memref<819200x80xf32, #tpu.memory_space<hbm>> -> memref<128x80xf32, #tpu.memory_space<hbm>>
    tpu.wait_dma2 semaphore(%arg26 : memref<!tpu.dma_semaphore, #tpu.memory_space<semaphore_mem>>) src(%arg14 : memref<128x80xf32, #tpu.memory_space<vmem>>) dst(%dma_wait3A_52 : memref<128x80xf32, #tpu.memory_space<hbm>>)
    %dma_wait3A_53 = arith.constant 0 : i32
    %dma_wait3A_54 = arith.constant 0 : i32
    %dma_wait3A_55 = tpu.memref_slice %arg7[%dma_wait3A_53, %dma_wait3A_54] : memref<819200x80xf32, #tpu.memory_space<hbm>> -> memref<128x80xf32, #tpu.memory_space<hbm>>
    %dma_wait3A_56 = arith.constant 0 : i32
    %dma_wait3A_57 = arith.constant 0 : i32
    %dma_wait3A_58 = tpu.memref_slice %arg7[%dma_wait3A_56, %dma_wait3A_57] : memref<819200x80xf32, #tpu.memory_space<hbm>> -> memref<128x80xf32, #tpu.memory_space<hbm>>
    tpu.wait_dma2 semaphore(%arg27 : memref<!tpu.dma_semaphore, #tpu.memory_space<semaphore_mem>>) src(%arg17 : memref<128x80xf32, #tpu.memory_space<vmem>>) dst(%dma_wait3A_58 : memref<128x80xf32, #tpu.memory_space<hbm>>)
    return
  }
}

</mosaic_0001>

<sc_bundles>
// kernel: _run.3.cloned.1.call-start
scs
__scs_entry_jumppad:
0x0: {  	(pc) =	sbr.rel $0x88, $3  }
0x1: {  	(tag) =	ssettag $0x0;
	lr =	simm.s32 $0x1  }
0x2: {  	[smem:$0x3F9C] =	sst lr;
	_ =	strace $0xD0000000  }
0x3: {  	_ = 	snop  }
0x4: {  	_ = 	snop  }
0x5: {  	_ = 	snop  }
0x6: {  	_ = 	snop  }
0x7: {  	_ = 	snop  }
__scs_overlays_trampoline_lowered:
0x8: {  	[smem:$0x3FAB] =	sst s0  }
0x9: {  	[smem:$0x3FAC] =	sst s1  }
0xa: {  	[smem:$0x3FAD] =	sst s2  }
0xb: {  	[smem:$0x3FAE] =	sst s3  }
0xc: {  	[smem:$0x3FAF] =	sst s4  }
0xd: {  	[smem:$0x3FB0] =	sst s5  }
0xe: {  	[smem:$0x3FB1] =	sst s6  }
0xf: {  	[smem:$0x3FB2] =	sst s7  }
0x10: {  	[smem:$0x3FB3] =	sst s8  }
0x11: {  	[smem:$0x3FB4] =	sst s9;
	s0 =	simm.s32 @!p0 $0x0  }
0x12: {  	s1 =	sld [smem:$0x3F9A];
	s0 =	simm.s32 @p0 $0x1  }
0x13: {  	[smem:$0x3FB5] =	sst s0;
	s0 =	simm.s32 @!p1 $0x0  }
0x14: {  	s2 =	sld [smem:$0x3F99];
	s0 =	simm.s32 @p1 $0x1  }
0x15: {  	[smem:$0x3FB6] =	sst s0;
	s0 =	simm.s32 @!p2 $0x0  }
0x16: {  	s3 =	sld [smem:$0x3FDB];
	s0 =	simm.s32 @p2 $0x1  }
0x17: {  	s4 =	simm.s32 $0x1BF5;
	[smem:$0x3FB8] =	sst s0  }
0x18: {  	s0 =	sld [smem:$0x3F9B];
	_ =	swait.ge [sflag:s4], $0x0  }
0x19: {  	s7 =	sld [smem:$0x3F9C]  }
0x1a: {  	s8 =	sadd.s32 $0xFFFFE003, lr  }
0x1b: {  	s9 =	sadd.s32 $0xFFFFFEF7, lr;
	s5 =	simm.s32 $0xFFFFFFFF;
	p2 =	slt.u32 s8, $0xFFFFF086  }
0x1c: {  	p1 =	slt.u32 s9, $0xF7A;
	s5 =	simm.s32 @!p2 $0x0  }
0x1d: {  	s5 =	simm.s32 @p1 $0x1;
	p0 =	seq.s32 s7, s2  }
0x1e: {  	s7 =	smul.u32 @!p0 $0xF7A, s2;
	p2 =	seq.s32 @!p0 s5, $0x0  }
0x1f: {  	s9 =	smul.u32 $0xF7A, s1;
	s8 =	simm.s32 @!p0 $0x1BF5;
	p2 =	por !p2, p0  }
0x20: {  	[sflag:s8] =	ssyncset.s32 @!p0 $0xFFFFF086;
	s6 =	sadd.s32 @!p0 s3, s7;
	s7 =	simm.s32 @!p0 $0x108  }
0x21: {  	s3 =	sadd.s32 s3, s9;
	s6 =	sadd.s32 @!p0 $0x88, s6;
	s7 =	simm.s32 @p2 $0x1082  }
0x22: {  	[simem:s7], [sflag:s8] =	dma.local @!p0 [hbm:s6], $0xF7A  }
0x23: {  	s9 =	sor.u32 $0xD0000000, s2;
	s6 =	simm.s32 $0x108;
	_ =	swait.ge @!p0 [sflag:s8], $0x0  }
0x24: {  	s3 =	sadd.s32 $0x88, s3;
	s6 =	simm.s32 @!p1 $0x1082;
	[sflag:s4] =	ssyncset.s32 $0xFFFFF086  }
0x25: {  	[simem:s6], [sflag:s4] =	dma.local [hbm:s3], $0xF7A  }
0x26: {  	[smem:$0x3F9C] =	sst s1;
	(tag) =	ssettag s2;
	_ =	strace s9  }
0x27: {  	s1 =	sld [smem:$0x3FAC]  }
0x28: {  	s2 =	sld [smem:$0x3FAD]  }
0x29: {  	s4 =	sld [smem:$0x3FAF]  }
0x2a: {  	p0 =	seq.s32 s5, $0x0;
	s5 =	sld [smem:$0x3FB0]  }
0x2b: {  	s6 =	sld [smem:$0x3FB1]  }
0x2c: {  	s7 =	sld [smem:$0x3FB2]  }
0x2d: {  	s3 =	simm.s32 $0x108;
	s8 =	sld [smem:$0x3FB3]  }
0x2e: {  	s3 =	simm.s32 @!p0 $0x1082;
	s9 =	sld [smem:$0x3FB4]  }
0x2f: {  	lr =	sadd.s32 s0, s3;
	s0 =	sld [smem:$0x3FAB]  }
0x30: {  	s3 =	sld [smem:$0x3FAE]  }
0x31: {  	[smem:$0x3FB7] =	sst s10  }
0x32: {  	s10 =	sld [smem:$0x3FB5];
	_ =	sdelay $0x3  }
0x33: {  	p0 =	seq.s32 s10, $0x1;
	s10 =	sld [smem:$0x3FB7];
	_ =	sdelay $0x3  }
0x34: {  	[smem:$0x3FB7] =	sst s10  }
0x35: {  	s10 =	sld [smem:$0x3FB6];
	_ =	sdelay $0x3  }
0x36: {  	p1 =	seq.s32 s10, $0x1;
	s10 =	sld [smem:$0x3FB7];
	_ =	sdelay $0x3  }
0x37: {  	[smem:$0x3FB7] =	sst s10  }
0x38: {  	s10 =	sld [smem:$0x3FB8]  }
0x39: {  	_ = 	snop;
	(pc) =	sbr.ind lr, $3  }
0x3a: {  	_ = 	snop  }
0x3b: {  	_ = 	snop  }
0x3c: {  	p2 =	seq.s32 s10, $0x1;
	s10 =	sld [smem:$0x3FB7]  }
0x3d: {  	_ =	shalt  }
0x3e: {  	_ =	shalt  }
0x3f: {  	_ =	shalt  }
0x40: {  	_ =	shalt  }
0x41: {  	_ =	shalt  }
0x42: {  	_ =	shalt  }
0x43: {  	_ =	shalt  }
0x44: {  	_ =	shalt  }
0x45: {  	_ =	shalt  }
0x46: {  	_ =	shalt  }
0x47: {  	_ =	shalt  }
0x48: {  	_ =	shalt  }
0x49: {  	_ =	shalt  }
0x4a: {  	_ =	shalt  }
0x4b: {  	_ =	shalt  }
0x4c: {  	_ =	shalt  }
0x4d: {  	_ =	shalt  }
0x4e: {  	_ =	shalt  }
0x4f: {  	_ =	shalt  }
0x50: {  	_ =	shalt  }
0x51: {  	_ =	shalt  }
0x52: {  	_ =	shalt  }
0x53: {  	_ =	shalt  }
0x54: {  	_ =	shalt  }
0x55: {  	_ =	shalt  }
0x56: {  	_ =	shalt  }
0x57: {  	_ =	shalt  }
0x58: {  	_ =	shalt  }
0x59: {  	_ =	shalt  }
0x5a: {  	_ =	shalt  }
0x5b: {  	_ =	shalt  }
0x5c: {  	_ =	shalt  }
0x5d: {  	_ =	shalt  }
0x5e: {  	_ =	shalt  }
0x5f: {  	_ =	shalt  }
0x60: {  	_ =	shalt  }
0x61: {  	_ =	shalt  }
0x62: {  	_ =	shalt  }
0x63: {  	_ =	shalt  }
0x64: {  	_ =	shalt  }
0x65: {  	_ =	shalt  }
0x66: {  	_ =	shalt  }
0x67: {  	_ =	shalt  }
0x68: {  	_ =	shalt  }
0x69: {  	_ =	shalt  }
0x6a: {  	_ =	shalt  }
0x6b: {  	_ =	shalt  }
0x6c: {  	_ =	shalt  }
0x6d: {  	_ =	shalt  }
0x6e: {  	_ =	shalt  }
0x6f: {  	_ =	shalt  }
0x70: {  	_ =	shalt  }
0x71: {  	_ =	shalt  }
0x72: {  	_ =	shalt  }
0x73: {  	_ =	shalt  }
0x74: {  	_ =	shalt  }
0x75: {  	_ =	shalt  }
0x76: {  	_ =	shalt  }
0x77: {  	_ =	shalt  }
0x78: {  	_ =	shalt  }
0x79: {  	_ =	shalt  }
0x7a: {  	_ =	shalt  }
0x7b: {  	_ =	shalt  }
0x7c: {  	_ =	shalt  }
0x7d: {  	_ =	shalt  }
0x7e: {  	_ =	shalt  }
0x7f: {  	_ =	shalt  }
0x80: {  	_ =	shalt  }
0x81: {  	_ =	shalt  }
0x82: {  	_ =	shalt  }
0x83: {  	_ =	shalt  }
0x84: {  	_ =	shalt  }
0x85: {  	_ =	shalt  }
0x86: {  	_ =	shalt  }
0x87: {  	_ =	shalt  }
.Lfunc_end0:
.L_simem_size_0:
called_computation_lowered:
.L_overlay_start_0:
0x88: {  	s2 =	sld [smem:$0x3FD9]  }
0x89: {  	s3 =	sld [smem:$0x3FFE];
	_ =	sdelay $0x1  }
0x8a: {  	s1 =	srdreg.scid  }
0x8b: {  	s0 =	sand.u32 $0x1, s1  }
0x8c: {  	s17 =	sshll.u32 s0, $0xA;
	s2 =	sadd.s32 s3, s2  }
0x8d: {  	s2 =	sadd.s32 s2, s17  }
0x8e: {  	[smem:$0x3FC3] =	sst s2  }
0x8f: {  	_ = 	snop  }
0x90: {  	s2 =	sld [smem:$0x3FC9]  }
0x91: {  	s18 =	sld [smem:$0x3FC8]  }
0x92: {  	s4 =	sld [smem:$0x3FC7]  }
0x93: {  	s5 =	sld [smem:$0x3FC6]  }
0x94: {  	s6 =	sld [smem:$0x3FC5];
	(tm) =	ssettm $0x1  }
0x95: {  	s7 =	sld [smem:$0x3FFB];
	_ =	sdelay $0x3  }
0x96: {  	_ =	strace s7  }
0x97: {  	s7 =	sld [smem:$0x3FFC];
	_ =	sdelay $0x3  }
0x98: {  	_ =	strace s7  }
0x99: {  	s7 =	sld [smem:$0x3FFD];
	_ =	sdelay $0x3  }
0x9a: {  	_ =	strace s7  }
0x9b: {  	_ =	strace $0x8FFFFFFF  }
0x9c: {  	s19 =	sld [smem:$0x3FDB];
	_ =	sdelay $0x1  }
0x9d: {  	s8 =	simm.s32 $_scs_section_size  }
0x9e: {  	s9 =	simm.s32 $_size__tile_overlayer_lowered;
	s10 =	simm.s32 $_tile_overlayer_lowered  }
0x9f: {  	s22 =	simm.s32 $0x1BFF;
	s21 =	sshll.u32 s10, $0x1;
	s7 =	sadd.s32 s8, s19  }
0xa0: {  	s11 =	simm.s32 $0x0;
	s20 =	sshll.u32 s9, $0x1;
	s9 =	sadd.s32 s21, s7  }
0xa1: {  	[timem:s11], [sflag:s22] =	dma.local [hbm:s9], s20  }
0xa2: {  	_ =	swait.ge [sflag:s22], s20  }
0xa3: {  	s8 =	ssub.s32 $0x0, s20;
	[sflag:s22] =	ssyncset.done $0x0  }
0xa4: {  	[sflag:s22] =	ssyncadd.s32 s8;
	_ =	sdelay $0x1  }
0xa5: {  	s23 =	simm.s32 $0x1B8B  }
0xa6: {  	_ =	swait.ge [sflag:s23], $0x1  }
0xa7: {  	[sflag:s23] =	ssyncset.done $0x0  }
0xa8: {  	s25 =	simm.s32 $0x1B8E;
	s24 =	sld [smem:$0x3FFE];
	[sflag:s23] =	ssyncadd.s32 $0xFFFFFFFF  }
0xa9: {  	s26 =	simm.s32 $execute0_lowered;
	[smem:$0x3FD2] =	sst s25  }
0xaa: {  	s9 =	sshll.u32 s26, $0x1;
	_ =	strace $0x80000046;
	[dreg:$0x1] =	wrdreg $0xFFFFFFFF  }
0xab: {  	s28 =	simm.s32 $_size_execute0_lowered;
	s7 =	sadd.s32 s7, s9;
	[dreg:$0x0] =	wrdreg $0x0  }
0xac: {  	s9 =	sshll.u32 s28, $0x1;
	[dreg:$0x2] =	wrdreg s7  }
0xad: {  	[dreg:$0x3] =	wrdreg s9  }
0xae: {  	[dreg:$0x4] =	wrdreg $0xC0  }
0xaf: {  	_ =	task [dreg:s11], $0x5FFFF  }
0xb0: {  	[dreg:$0x1] =	wrdreg $0xFFFFFFFF  }
0xb1: {  	[dreg:$0x0] =	wrdreg $0x60  }
0xb2: {  	[dreg:$0x2] =	wrdreg s2  }
0xb3: {  	[dreg:$0x3] =	wrdreg s18  }
0xb4: {  	[dreg:$0x4] =	wrdreg s4  }
0xb5: {  	[dreg:$0x5] =	wrdreg s5  }
0xb6: {  	[dreg:$0x6] =	wrdreg s6  }
0xb7: {  	[dreg:$0x7] =	wrdreg s24  }
0xb8: {  	[dreg:$0x8] =	wrdreg $0x9  }
0xb9: {  	_ =	task.clear_ibuf [dreg:s11], $0x9FFFF;
	_ =	strace $0x90000046  }
0xba: {  	s29 =	simm.s32 $0x9;
	_ =	strace $0x80000048  }
0xbb: {  	_ =	swait.ge [sflag:s29], $0x1  }
0xbc: {  	[sflag:s29] =	ssyncadd.s32 $0xFFFFFFFF  }
0xbd: {  	_ =	strace $0x90000048  }
0xbe: {  	_ =	sfence  }
0xbf: {  	s30 =	sld [smem:$0x0];
	_ =	sdelay $0x2  }
0xc0: {  	s31 =	sshll.u32 s1, $0xD;
	s1 =	sshrl.u32 s1, $0x2  }
0xc1: {  	s3 =	sand.u32 $0x4000, s31;
	s1 =	sadd.s32 s1, s30  }
0xc2: {  	s0 =	sor.u32 s3, s0;
	s1 =	sshll.u32 s1, $0x11  }
0xc3: {  	s0 =	sor.u32 s1, s0  }
0xc4: {  	s0 =	sadd.s32 $0x8F2B, s0  }
0xc5: {  	[sflag:s0] =	ssyncadd.remote.s32 $0x1  }
0xc6: {  	_ =	sfence.sel $0xFFFF  }
0xc7: {  	[dreg:$0x0] =	wrdreg $0xFFFFFFFF;
	(pc) =	sbr.abs _section_cstart, $3  }
0xc8: {  	[dreg:$0x1] =	wrdreg $0xFFFFFFFF  }
0xc9: {  	_ =	task.clear_ibuf [dreg:s11], $0x2FFFF;
	_ =	strace $0x9FFFFFFF  }
0xca: {  	(tm) =	ssettm $0x7FFFFFFF  }
0xcb: {  	_ =	shalt  }
tec
execute0_lowered:
.L_overlay_start_1:
0x0: {  	(tag) =	ssettag $0x1  }
0x1: {  	s9 =	rddreg [dreg:$0x0]  }
0x2: {  	s2 =	rddreg [dreg:$0x1]  }
0x3: {  	s3 =	rddreg [dreg:$0x2]  }
0x4: {  	s0 =	srdreg.scid;
	s1 =	stileid.u32  }
0x5: {  	s4 =	rddreg [dreg:$0x5];
	s7 =	simm.s32 $0x0;
	s28 =	simm.s32 $0x10600  }
0x6: {  	s29 =	simm.s32 $0x300;
	s30 =	simm.s32 $0x480;
	s31 =	simm.s32 $0x5  }
0x7: {  	s18 =	simm.s32 $0x14600;
	s20 =	simm.s32 $0x4;
	s12 =	simm.s32 $0x7  }
0x8: {  	s13 =	simm.s32 $0x8;
	s17 =	simm.s32 $0x2;
	s0 =	sand.u32 $0x1, s0  }
0x9: {  	s1 =	sshll.u32 s1, $0x1;
	[smem:$0x7FF] =	sst s7;
	s8 =	sadd.s32 $0x400, s4  }
0xa: {  	s14 =	sadd.s32 $0xC00, s4;
	s15 =	sadd.s32 $0x1400, s4;
	s1 =	sor.u32 s0, s1  }
0xb: {  	s16 =	sadd.s32 $0x1C00, s4;
	s4 =	simm.s32 $0x0;
	s5 =	smul.u32 $0x2580, s1  }
0xc: {  	s0 =	ssub.s32 $0x2, s0;
	_ =	strace $0x80000047;
	s6 =	smul.u32 $0x12C00, s1  }
0xd: {  	[dreg:$0x7] =	wrdreg s8;
	s21 =	sshrl.u32 s0, $0x1;
	s1 =	smul.u32 $0xC8, s1  }
0xe: {  	s0 =	ssub.s32 s0, s21;
	s21 =	simm.s32 $0x180;
	s22 =	sadd.s32 s9, s5  }
0xf: {  	s23 =	sshrl.u32 s6, $0x3;
	[dreg:$0x9] =	wrdreg s1;
	s0 =	smax.u32 s0, $0x1  }
.Ltmp0:
0x10: {  	s5 =	simm.s32 $0x8600;
	[dreg:$0x8] =	wrdreg s22;
	(pc) =	sbr.rel .LBB2_1-.Ltmp0, $4  }
0x11: {  	s6 =	simm.s32 $0x6;
	s24 =	sadd.s32 $0x30, s22;
	[dreg:$0xd] =	wrdreg s0  }
0x12: {  	s25 =	sadd.s32 s9, s23;
	s26 =	sadd.s32 $0x60, s22;
	[dreg:$0xa] =	wrdreg s24  }
0x13: {  	s22 =	simm.s32 $0x80;
	[dreg:$0xb] =	wrdreg s26;
	s1 =	sadd.s32 $0x90, s25  }
0x14: {  	s25 =	simm.s32 $0xC600;
	[dreg:$0xc] =	wrdreg s1;
	s1 =	simm.s32 $0x3  }
.LBB2_12:
0x15: {  	_ =	swait.ge [sflag:s12], $0x4000  }
0x16: {  	[sflag:s12] =	ssyncset.done $0x0  }
0x17: {  	[sflag:s12] =	ssyncadd.s32 $0xFFFFC000  }
0x18: {  	_ =	swait.ge [sflag:s13], $0x4000  }
0x19: {  	s4 =	rddreg [dreg:$0xe]  }
0x1a: {  	s0 =	rddreg [dreg:$0xd];
	s4 =	sadd.s32 $0x1, s4  }
0x1b: {  	p0 =	sne.s32 s4, s0  }
.Ltmp1:
0x1c: {  	_ = 	snop;
	(pc) =	sbr.rel @!p0 .LBB2_13-.Ltmp1, $3  }
0x1d: {  	_ =	sdelay $0x1  }
0x1e: {  	[sflag:s13] =	ssyncset.done $0x0  }
0x1f: {  	[sflag:s13] =	ssyncadd.s32 $0xFFFFC000  }
.LBB2_1:
0x20: {  	[dreg:$0xe] =	wrdreg s4  }
0x21: {  	s0 =	rddreg [dreg:$0x3];
	s23 =	simm.s32 $0x18600;
	s24 =	simm.s32 $0x9  }
0x22: {  	[tilespmem:s23], [sflag:$0x9] =	stream.linear.gather [hbm4b:s0+s7], $0x80, $0x38;
	[tilespmem:$0x18700] =	vst v63  }
0x23: {  	_ =	swait.ge [sflag:s24], $0x80  }
0x24: {  	[sflag:s24] =	ssyncset.done $0x0  }
0x25: {  	[sflag:s24] =	ssyncadd.s32 $0xFFFFFF80  }
0x26: {  	s8 =	simm.s32 $0x18680;
	s26 =	rddreg [dreg:$0x4]  }
0x27: {  	[tilespmem:s8], [sflag:$0x9] =	stream.linear.gather [hbm4b:s26+s7], $0x80, $0x38;
	[tilespmem:$0x18700] =	vst v63  }
0x28: {  	_ =	swait.ge [sflag:s24], $0x80  }
0x29: {  	[sflag:s24] =	ssyncset.done $0x0  }
0x2a: {  	[sflag:s24] =	ssyncadd.s32 $0xFFFFFF80  }
0x2b: {  	s9 =	rddreg [dreg:$0x8];
	v0 =	vld [tilespmem:$0x18600]  }
0x2c: {  	v1 =	vld [tilespmem:$0x18680];
	[tilespmem:s7], [sflag:$0x9] =	stream.linear.gather [hbm4b:s9+s7], $0x180, $0x38  }
0x2d: {  	_ =	swait.ge [sflag:s24], $0x180  }
0x2e: {  	[sflag:s24] =	ssyncset.done $0x0  }
0x2f: {  	s10 =	rddreg [dreg:$0xa];
	[sflag:s24] =	ssyncadd.s32 $0xFFFFFE80  }
0x30: {  	[tilespmem:s21], [sflag:$0x9] =	stream.linear.gather [hbm4b:s10+s7], $0x180, $0x38;
	[tilespmem:$0x18700] =	vst v63  }
0x31: {  	_ =	swait.ge [sflag:s24], $0x180  }
0x32: {  	[sflag:s24] =	ssyncset.done $0x0  }
0x33: {  	s11 =	simm.s32 $0x600;
	[sflag:s24] =	ssyncadd.s32 $0xFFFFFE80  }
0x34: {  	[tilespmem:s11], [sflag:$0x5] =	stream.indirect.gather [hbm4b:s2+s22], $0x80, s7, s22, $0xb8;
	[tilespmem:$0x18700] =	vst v63  }
0x35: {  	s19 =	simm.s32 $0x4600  }
0x36: {  	[tilespmem:s19], [sflag:$0x5] =	stream.indirect.gather [hbm4b:s3+s22], $0x80, s22, s22, $0xb8;
	[tilespmem:$0x18700] =	vst v63  }
0x37: {  	_ = 	snop  }
0x38: {  	[tilespmem:s25], [sflag:$0x6] =	stream.indirect.gather [hbm4b:s2+s22], $0x80, s21, s22, $0xb8;
	[tilespmem:$0x18700] =	vst v63  }
0x39: {  	s23 =	simm.s32 $0x200  }
0x3a: {  	[tilespmem:s28], [sflag:$0x6] =	stream.indirect.gather [hbm4b:s3+s22], $0x80, s23, s22, $0xb8;
	[tilespmem:$0x18700] =	vst v63  }
0x3b: {  	s24 =	rddreg [dreg:$0xb]  }
0x3c: {  	[tilespmem:s29], [sflag:$0x3] =	stream.linear.gather [hbm4b:s24+s7], $0x180, $0x38;
	[tilespmem:$0x18700] =	vst v63  }
0x3d: {  	s26 =	rddreg [dreg:$0xc];
	s19 =	simm.s32 $0x0  }
0x3e: {  	[tilespmem:s30], [sflag:$0x4] =	stream.linear.gather [hbm4b:s26+s7], $0x180, $0x38;
	[tilespmem:$0x18700] =	vst v63  }
.LBB2_2:
0x3f: {  	_ =	swait.ge [sflag:s31], $0x4000  }
0x40: {  	[sflag:s31] =	ssyncset.done $0x0  }
0x41: {  	[sflag:s31] =	ssyncadd.s32 $0xFFFFC000  }
0x42: {  	_ =	swait.ge [sflag:s31], $0x4000  }
0x43: {  	p1 =	seq.s32 s19, $0x0;
	[sflag:s31] =	ssyncset.done $0x0  }
0x44: {  	s0 =	simm.s32 @!p1 $0x7;
	[sflag:s31] =	ssyncadd.s32 $0xFFFFC000  }
0x45: {  	_ =	swait.ge @!p1 [sflag:s0], $0x4000  }
0x46: {  	[sflag:s0] =	ssyncset.done @!p1 $0x0  }
0x47: {  	s23 =	simm.s32 $0x700;
	[sflag:s0] =	ssyncadd.s32 @!p1 $0xFFFFC000  }
0x48: {  	v2 =	vld [tilespmem:s23+$0xFFFFFF00];
	_ =	sdelay $0x3  }
0x49: {  	s26 =	simm.s32 $0x8700  }
0x4a: {  	[tilespmem:s26+$0xFFFFFF00] =	vst v2  }
0x4b: {  	v2 =	vld [tilespmem:s23+$0xFFFFFF10];
	_ =	sdelay $0x4  }
0x4c: {  	s4 =	simm.s32 $0x4700;
	[tilespmem:s26+$0xFFFFFF10] =	vst v2  }
0x4d: {  	v2 =	vld [tilespmem:s4+$0xFFFFFF00];
	_ =	sdelay $0x1  }
0x4e: {  	s8 =	simm.s32 $0x0  }
0x4f: {  	v3 =	vmov s8  }
0x50: {  	v3 =	vadd.s32 $0x100, v3  }
0x51: {  	[tilespmem:s26+$0xFFFFFF20] =	vst v2;
	v2 =	vand.u32 $0xFFFFFFFC, v3  }
0x52: {  	v3 =	vld [tilespmem:s4+$0xFFFFFF10];
	v2 =	vbroadcast v2, $0x0;
	_ =	sdelay $0x4  }
0x53: {  	[tilespmem:s26+$0xFFFFFF30] =	vst v3  }
0x54: {  	v2 =	vld.idx.msk [tilespmem:v2+s7+$0x0], $0xffff;
	_ =	sdelay $0x4  }
0x55: {  	v2 =	vmul.f32 v2, v0;
	_ =	sdelay $0x1  }
0x56: {  	v2 =	vadd.f32 v2, v1;
	_ =	sdelay $0x1  }
0x57: {  	[tilespmem:s26+$0xFFFFFF40] =	vst v2  }
0x58: {  	v2 =	vld [tilespmem:s23+$0xFFFFFF80];
	_ =	sdelay $0x4  }
0x59: {  	[tilespmem:s26+$0xFFFFFF80] =	vst v2  }
0x5a: {  	v2 =	vld [tilespmem:s23+$0xFFFFFF90];
	_ =	sdelay $0x4  }
0x5b: {  	[tilespmem:s26+$0xFFFFFF90] =	vst v2  }
0x5c: {  	v2 =	vld [tilespmem:s4+$0xFFFFFF80];
	_ =	sdelay $0x1  }
0x5d: {  	s24 =	simm.s32 $0x1  }
0x5e: {  	v3 =	vmov s24  }
0x5f: {  	v3 =	vadd.s32 $0x100, v3  }
0x60: {  	[tilespmem:s26+$0xFFFFFFA0] =	vst v2;
	v2 =	vand.u32 $0xFFFFFFFD, v3  }
0x61: {  	v3 =	vld [tilespmem:s4+$0xFFFFFF90];
	v2 =	vbroadcast v2, $0x0;
	_ =	sdelay $0x4  }
0x62: {  	[tilespmem:s26+$0xFFFFFFB0] =	vst v3  }
0x63: {  	v2 =	vld.idx.msk [tilespmem:v2+s7+$0x0], $0xffff;
	_ =	sdelay $0x4  }
0x64: {  	v2 =	vmul.f32 v2, v0;
	_ =	sdelay $0x1  }
0x65: {  	v2 =	vadd.f32 v2, v1;
	_ =	sdelay $0x1  }
0x66: {  	[tilespmem:s26+$0xFFFFFFC0] =	vst v2  }
0x67: {  	v2 =	vld [tilespmem:s23+$0x0];
	_ =	sdelay $0x4  }
0x68: {  	[tilespmem:s26+$0x0] =	vst v2  }
0x69: {  	v2 =	vld [tilespmem:s23+$0x10];
	_ =	sdelay $0x4  }
0x6a: {  	[tilespmem:s26+$0x10] =	vst v2  }
0x6b: {  	v2 =	vld [tilespmem:s4+$0x0];
	_ =	sdelay $0x1  }
0x6c: {  	s9 =	simm.s32 $0x2  }
0x6d: {  	v3 =	vmov s9  }
0x6e: {  	v3 =	vadd.s32 $0x100, v3  }
0x6f: {  	[tilespmem:s26+$0x20] =	vst v2;
	v2 =	vand.u32 $0xFFFFFFFE, v3  }
0x70: {  	v3 =	vld [tilespmem:s4+$0x10];
	v2 =	vbroadcast v2, $0x0;
	_ =	sdelay $0x4  }
0x71: {  	[tilespmem:s26+$0x30] =	vst v3  }
0x72: {  	v2 =	vld.idx.msk [tilespmem:v2+s7+$0x0], $0xffff;
	_ =	sdelay $0x4  }
0x73: {  	v2 =	vmul.f32 v2, v0;
	_ =	sdelay $0x1  }
0x74: {  	v2 =	vadd.f32 v2, v1;
	_ =	sdelay $0x1  }
0x75: {  	[tilespmem:s26+$0x40] =	vst v2  }
0x76: {  	v2 =	vld [tilespmem:s23+$0x80];
	_ =	sdelay $0x4  }
0x77: {  	[tilespmem:s26+$0x80] =	vst v2  }
0x78: {  	v2 =	vld [tilespmem:s23+$0x90];
	_ =	sdelay $0x4  }
0x79: {  	[tilespmem:s26+$0x90] =	vst v2  }
0x7a: {  	v2 =	vld [tilespmem:s4+$0x80];
	_ =	sdelay $0x2  }
0x7b: {  	s10 =	simm.s32 $0x3  }
0x7c: {  	v3 =	vmov s10  }
0x7d: {  	[tilespmem:s26+$0xA0] =	vst v2;
	v2 =	vadd.s32 $0x100, v3  }
0x7e: {  	v3 =	vld [tilespmem:s4+$0x90];
	v2 =	vbroadcast v2, $0x0;
	_ =	sdelay $0x4  }
0x7f: {  	[tilespmem:s26+$0xB0] =	vst v3  }
0x80: {  	v2 =	vld.idx.msk [tilespmem:v2+s7+$0x0], $0xffff;
	_ =	sdelay $0x4  }
0x81: {  	v2 =	vmul.f32 v2, v0;
	_ =	sdelay $0x1  }
0x82: {  	v2 =	vadd.f32 v2, v1;
	_ =	sdelay $0x1  }
0x83: {  	s11 =	sshll.u32 s19, $0x2;
	s24 =	rddreg [dreg:$0x9];
	s23 =	simm.s32 $0x900;
	[tilespmem:s26+$0xC0] =	vst v2  }
0x84: {  	s0 =	simm.s32 $0x8;
	s9 =	sadd.s32 s24, s11;
	s11 =	simm.s32 $0x4;
	v2 =	vld [tilespmem:s23+$0xFFFFFF00]  }
.LBB2_3:
0x85: {  	p0 =	slt.u32 s0, $0x7C;
	_ =	sdelay $0x2  }
0x86: {  	s26 =	sadd.s32 $0x200, s26  }
0x87: {  	[tilespmem:s26+$0xFFFFFF00] =	vst v2  }
0x88: {  	v2 =	vld [tilespmem:s23+$0xFFFFFF10];
	_ =	sdelay $0x4  }
0x89: {  	s4 =	sadd.s32 $0x200, s4;
	[tilespmem:s26+$0xFFFFFF10] =	vst v2  }
0x8a: {  	v2 =	vld [tilespmem:s4+$0xFFFFFF00];
	_ =	sdelay $0x2  }
0x8b: {  	v3 =	vmov s11  }
0x8c: {  	v3 =	vadd.s32 $0x100, v3  }
0x8d: {  	[tilespmem:s26+$0xFFFFFF20] =	vst v2;
	v2 =	vand.u32 $0xFFFFFFFC, v3  }
0x8e: {  	v3 =	vld [tilespmem:s4+$0xFFFFFF10];
	v2 =	vbroadcast v2, $0x0;
	_ =	sdelay $0x4  }
0x8f: {  	[tilespmem:s26+$0xFFFFFF30] =	vst v3  }
0x90: {  	v2 =	vld.idx.msk [tilespmem:v2+s7+$0x0], $0xffff;
	_ =	sdelay $0x5  }
0x91: {  	v2 =	vmul.f32 v2, v0;
	_ =	sdelay $0x1  }
0x92: {  	v2 =	vadd.f32 v2, v1;
	_ =	sdelay $0x1  }
0x93: {  	[tilespmem:s26+$0xFFFFFF40] =	vst v2  }
0x94: {  	v2 =	vld [tilespmem:s23+$0xFFFFFF80];
	_ =	sdelay $0x4  }
0x95: {  	[tilespmem:s26+$0xFFFFFF80] =	vst v2  }
0x96: {  	v2 =	vld [tilespmem:s23+$0xFFFFFF90];
	_ =	sdelay $0x4  }
0x97: {  	[tilespmem:s26+$0xFFFFFF90] =	vst v2  }
0x98: {  	v2 =	vld [tilespmem:s4+$0xFFFFFF80];
	_ =	sdelay $0x1  }
0x99: {  	s8 =	sadd.s32 $0x1, s11  }
0x9a: {  	v3 =	vmov s8  }
0x9b: {  	v3 =	vadd.s32 $0x100, v3  }
0x9c: {  	[tilespmem:s26+$0xFFFFFFA0] =	vst v2;
	v2 =	vand.u32 $0xFFFFFFFD, v3  }
0x9d: {  	v3 =	vld [tilespmem:s4+$0xFFFFFF90];
	v2 =	vbroadcast v2, $0x0;
	_ =	sdelay $0x4  }
0x9e: {  	[tilespmem:s26+$0xFFFFFFB0] =	vst v3  }
0x9f: {  	v2 =	vld.idx.msk [tilespmem:v2+s7+$0x0], $0xffff;
	_ =	sdelay $0x5  }
0xa0: {  	v2 =	vmul.f32 v2, v0;
	_ =	sdelay $0x1  }
0xa1: {  	v2 =	vadd.f32 v2, v1;
	_ =	sdelay $0x1  }
0xa2: {  	[tilespmem:s26+$0xFFFFFFC0] =	vst v2  }
0xa3: {  	v2 =	vld [tilespmem:s23+$0x0];
	_ =	sdelay $0x4  }
0xa4: {  	[tilespmem:s26+$0x0] =	vst v2  }
0xa5: {  	v2 =	vld [tilespmem:s23+$0x10];
	_ =	sdelay $0x4  }
0xa6: {  	[tilespmem:s26+$0x10] =	vst v2  }
0xa7: {  	v2 =	vld [tilespmem:s4+$0x0];
	_ =	sdelay $0x1  }
0xa8: {  	s8 =	sadd.s32 $0x2, s11  }
0xa9: {  	v3 =	vmov s8  }
0xaa: {  	v3 =	vadd.s32 $0x100, v3  }
0xab: {  	[tilespmem:s26+$0x20] =	vst v2;
	v2 =	vand.u32 $0xFFFFFFFE, v3  }
0xac: {  	v3 =	vld [tilespmem:s4+$0x10];
	v2 =	vbroadcast v2, $0x0;
	_ =	sdelay $0x4  }
0xad: {  	[tilespmem:s26+$0x30] =	vst v3  }
0xae: {  	v2 =	vld.idx.msk [tilespmem:v2+s7+$0x0], $0xffff;
	_ =	sdelay $0x5  }
0xaf: {  	v2 =	vmul.f32 v2, v0;
	_ =	sdelay $0x1  }
0xb0: {  	v2 =	vadd.f32 v2, v1;
	_ =	sdelay $0x1  }
0xb1: {  	[tilespmem:s26+$0x40] =	vst v2  }
0xb2: {  	v2 =	vld [tilespmem:s23+$0x80];
	_ =	sdelay $0x4  }
0xb3: {  	[tilespmem:s26+$0x80] =	vst v2  }
0xb4: {  	v2 =	vld [tilespmem:s23+$0x90];
	_ =	sdelay $0x4  }
0xb5: {  	[tilespmem:s26+$0x90] =	vst v2  }
0xb6: {  	v2 =	vld [tilespmem:s4+$0x80];
	_ =	sdelay $0x2  }
0xb7: {  	s8 =	sadd.s32 $0x3, s11;
	s11 =	smov.u32 s0  }
0xb8: {  	v3 =	vmov s8  }
0xb9: {  	[tilespmem:s26+$0xA0] =	vst v2;
	v2 =	vadd.s32 $0x100, v3  }
0xba: {  	v3 =	vld [tilespmem:s4+$0x90];
	v2 =	vbroadcast v2, $0x0;
	_ =	sdelay $0x4  }
0xbb: {  	[tilespmem:s26+$0xB0] =	vst v3  }
0xbc: {  	v2 =	vld.idx.msk [tilespmem:v2+s7+$0x0], $0xffff;
	_ =	sdelay $0x5  }
0xbd: {  	v2 =	vmul.f32 v2, v0  }
.Ltmp2:
0xbe: {  	(pc) =	sbr.rel @p0 .LBB2_3-.Ltmp2, $3  }
0xbf: {  	v2 =	vadd.f32 v2, v1;
	_ =	sdelay $0x1  }
0xc0: {  	s23 =	sadd.s32 $0x200, s23;
	[tilespmem:s26+$0xC0] =	vst v2  }
0xc1: {  	s0 =	sadd.s32 $0x4, s0;
	v2 =	vld [tilespmem:s23+$0xFFFFFF00]  }
0xc2: {  	_ =	sdelay $0x2  }
0xc3: {  	s0 =	sadd.s32 $0x200, s26  }
0xc4: {  	[tilespmem:s0+$0xFFFFFF00] =	vst v2  }
0xc5: {  	v2 =	vld [tilespmem:s23+$0xFFFFFF10];
	_ =	sdelay $0x4  }
0xc6: {  	s4 =	sadd.s32 $0x200, s4;
	[tilespmem:s0+$0xFFFFFF10] =	vst v2  }
0xc7: {  	v2 =	vld [tilespmem:s4+$0xFFFFFF00];
	_ =	sdelay $0x2  }
0xc8: {  	v3 =	vmov s11  }
0xc9: {  	v3 =	vadd.s32 $0x100, v3  }
0xca: {  	[tilespmem:s0+$0xFFFFFF20] =	vst v2;
	v2 =	vand.u32 $0xFFFFFFFC, v3  }
0xcb: {  	v3 =	vld [tilespmem:s4+$0xFFFFFF10];
	v2 =	vbroadcast v2, $0x0;
	_ =	sdelay $0x4  }
0xcc: {  	[tilespmem:s0+$0xFFFFFF30] =	vst v3  }
0xcd: {  	v2 =	vld.idx.msk [tilespmem:v2+s7+$0x0], $0xffff;
	_ =	sdelay $0x4  }
0xce: {  	v2 =	vmul.f32 v2, v0;
	_ =	sdelay $0x1  }
0xcf: {  	v2 =	vadd.f32 v2, v1;
	_ =	sdelay $0x1  }
0xd0: {  	[tilespmem:s0+$0xFFFFFF40] =	vst v2  }
0xd1: {  	v2 =	vld [tilespmem:s23+$0xFFFFFF80];
	_ =	sdelay $0x4  }
0xd2: {  	[tilespmem:s0+$0xFFFFFF80] =	vst v2  }
0xd3: {  	v2 =	vld [tilespmem:s23+$0xFFFFFF90];
	_ =	sdelay $0x4  }
0xd4: {  	[tilespmem:s0+$0xFFFFFF90] =	vst v2  }
0xd5: {  	v2 =	vld [tilespmem:s4+$0xFFFFFF80];
	_ =	sdelay $0x1  }
0xd6: {  	s8 =	sadd.s32 $0x1, s11  }
0xd7: {  	v3 =	vmov s8  }
0xd8: {  	v3 =	vadd.s32 $0x100, v3  }
0xd9: {  	[tilespmem:s0+$0xFFFFFFA0] =	vst v2;
	v2 =	vand.u32 $0xFFFFFFFD, v3  }
0xda: {  	v3 =	vld [tilespmem:s4+$0xFFFFFF90];
	v2 =	vbroadcast v2, $0x0;
	_ =	sdelay $0x4  }
0xdb: {  	[tilespmem:s0+$0xFFFFFFB0] =	vst v3  }
0xdc: {  	v2 =	vld.idx.msk [tilespmem:v2+s7+$0x0], $0xffff;
	_ =	sdelay $0x4  }
0xdd: {  	v2 =	vmul.f32 v2, v0;
	_ =	sdelay $0x1  }
0xde: {  	v2 =	vadd.f32 v2, v1;
	_ =	sdelay $0x1  }
0xdf: {  	[tilespmem:s0+$0xFFFFFFC0] =	vst v2  }
0xe0: {  	v2 =	vld [tilespmem:s23+$0x0];
	_ =	sdelay $0x4  }
0xe1: {  	[tilespmem:s0+$0x0] =	vst v2  }
0xe2: {  	v2 =	vld [tilespmem:s23+$0x10];
	_ =	sdelay $0x4  }
0xe3: {  	[tilespmem:s0+$0x10] =	vst v2  }
0xe4: {  	v2 =	vld [tilespmem:s4+$0x0];
	_ =	sdelay $0x1  }
0xe5: {  	s24 =	sadd.s32 $0x2, s11  }
0xe6: {  	v3 =	vmov s24  }
0xe7: {  	v3 =	vadd.s32 $0x100, v3  }
0xe8: {  	[tilespmem:s0+$0x20] =	vst v2;
	v2 =	vand.u32 $0xFFFFFFFE, v3  }
0xe9: {  	v3 =	vld [tilespmem:s4+$0x10];
	v2 =	vbroadcast v2, $0x0;
	_ =	sdelay $0x4  }
0xea: {  	[tilespmem:s0+$0x30] =	vst v3  }
0xeb: {  	v2 =	vld.idx.msk [tilespmem:v2+s7+$0x0], $0xffff;
	_ =	sdelay $0x4  }
0xec: {  	v2 =	vmul.f32 v2, v0;
	_ =	sdelay $0x1  }
0xed: {  	v2 =	vadd.f32 v2, v1;
	_ =	sdelay $0x1  }
0xee: {  	[tilespmem:s0+$0x40] =	vst v2  }
0xef: {  	v2 =	vld [tilespmem:s23+$0x80];
	_ =	sdelay $0x4  }
0xf0: {  	[tilespmem:s0+$0x80] =	vst v2  }
0xf1: {  	v2 =	vld [tilespmem:s23+$0x90];
	_ =	sdelay $0x4  }
0xf2: {  	[tilespmem:s0+$0x90] =	vst v2  }
0xf3: {  	v2 =	vld [tilespmem:s4+$0x80];
	_ =	sdelay $0x2  }
0xf4: {  	s26 =	sadd.s32 $0x3, s11  }
0xf5: {  	v3 =	vmov s26  }
0xf6: {  	[tilespmem:s0+$0xA0] =	vst v2;
	v2 =	vadd.s32 $0x100, v3  }
0xf7: {  	v3 =	vld [tilespmem:s4+$0x90];
	v2 =	vbroadcast v2, $0x0;
	_ =	sdelay $0x4  }
0xf8: {  	[tilespmem:s0+$0xB0] =	vst v3  }
0xf9: {  	v2 =	vld.idx.msk [tilespmem:v2+s7+$0x0], $0xffff;
	_ =	sdelay $0x4  }
0xfa: {  	v2 =	vmul.f32 v2, v0;
	_ =	sdelay $0x1  }
0xfb: {  	v2 =	vadd.f32 v2, v1  }
0xfc: {  	p0 =	seq.s32 s19, $0x31;
	s10 =	rddreg [dreg:$0x7];
	s26 =	sshll.u32 s9, $0xB  }
0xfd: {  	s4 =	smul.u32 @!p0 $0x180, s9;
	[tilespmem:s0+$0xC0] =	vst v2;
	s0 =	sadd.s32 s10, s26  }
0xfe: {  	[hbm4b:s0+s7] =	stream.linear.scatter [tilespmem:s5], [sflag:$0x7], $0x4000, $0x38;
	[tilespmem:$0x18700] =	vst v63  }
0xff: {  	s0 =	sshrl.u32 @!p0 s4, $0x3;
	s4 =	rddreg [dreg:$0x0]  }
0x100: {  	s4 =	sadd.s32 @!p0 s4, s0  }
0x101: {  	s8 =	simm.s32 @!p0 $0x0;
	s0 =	sadd.s32 @!p0 $0xC0, s4  }
0x102: {  	[tilespmem:s8], [sflag:$0x1] =	stream.linear.gather @!p0 [hbm4b:s0+s8], $0x180, $0x38;
	[tilespmem:$0x18700] =	vst v63  }
0x103: {  	_ =	swait.ge [sflag:s1], $0x180  }
0x104: {  	[sflag:s1] =	ssyncset.done $0x0  }
0x105: {  	s11 =	simm.s32 $0x600;
	[sflag:s1] =	ssyncadd.s32 $0xFFFFFE80  }
0x106: {  	[tilespmem:s11], [sflag:$0x5] =	stream.indirect.gather [hbm4b:s2+s22], $0x80, s29, s22, $0xb8;
	[tilespmem:$0x18700] =	vst v63  }
0x107: {  	s24 =	simm.s32 $0x380;
	s23 =	simm.s32 $0x4600  }
0x108: {  	[tilespmem:s23], [sflag:$0x5] =	stream.indirect.gather [hbm4b:s3+s22], $0x80, s24, s22, $0xb8;
	[tilespmem:$0x18700] =	vst v63  }
0x109: {  	_ =	swait.ge [sflag:s6], $0x4000  }
0x10a: {  	[sflag:s6] =	ssyncset.done $0x0  }
0x10b: {  	[sflag:s6] =	ssyncadd.s32 $0xFFFFC000  }
0x10c: {  	_ =	swait.ge [sflag:s6], $0x4000  }
0x10d: {  	[sflag:s6] =	ssyncset.done $0x0  }
0x10e: {  	s0 =	simm.s32 @!p1 $0x8;
	[sflag:s6] =	ssyncadd.s32 $0xFFFFC000  }
0x10f: {  	_ =	swait.ge @!p1 [sflag:s0], $0x4000  }
0x110: {  	[sflag:s0] =	ssyncset.done @!p1 $0x0  }
0x111: {  	[sflag:s0] =	ssyncadd.s32 @!p1 $0xFFFFC000;
	s0 =	simm.s32 $0xC700  }
0x112: {  	v2 =	vld [tilespmem:s0+$0xFFFFFF00];
	_ =	sdelay $0x3  }
0x113: {  	s23 =	simm.s32 $0x14700  }
0x114: {  	[tilespmem:s23+$0xFFFFFF00] =	vst v2  }
0x115: {  	v2 =	vld [tilespmem:s0+$0xFFFFFF10];
	_ =	sdelay $0x4  }
0x116: {  	s11 =	simm.s32 $0x10700;
	[tilespmem:s23+$0xFFFFFF10] =	vst v2  }
0x117: {  	v2 =	vld [tilespmem:s11+$0xFFFFFF00];
	_ =	sdelay $0x1  }
0x118: {  	s10 =	simm.s32 $0x0  }
0x119: {  	v3 =	vmov s10  }
0x11a: {  	v3 =	vadd.s32 $0x100, v3  }
0x11b: {  	[tilespmem:s23+$0xFFFFFF20] =	vst v2;
	v2 =	vand.u32 $0xFFFFFFFC, v3  }
0x11c: {  	v3 =	vld [tilespmem:s11+$0xFFFFFF10];
	v2 =	vbroadcast v2, $0x0;
	_ =	sdelay $0x4  }
0x11d: {  	[tilespmem:s23+$0xFFFFFF30] =	vst v3  }
0x11e: {  	v2 =	vld.idx.msk [tilespmem:v2+s21+$0x0], $0xffff;
	_ =	sdelay $0x4  }
0x11f: {  	v2 =	vmul.f32 v2, v0;
	_ =	sdelay $0x1  }
0x120: {  	v2 =	vadd.f32 v2, v1;
	_ =	sdelay $0x1  }
0x121: {  	[tilespmem:s23+$0xFFFFFF40] =	vst v2  }
0x122: {  	v2 =	vld [tilespmem:s0+$0xFFFFFF80];
	_ =	sdelay $0x4  }
0x123: {  	[tilespmem:s23+$0xFFFFFF80] =	vst v2  }
0x124: {  	v2 =	vld [tilespmem:s0+$0xFFFFFF90];
	_ =	sdelay $0x4  }
0x125: {  	[tilespmem:s23+$0xFFFFFF90] =	vst v2  }
0x126: {  	v2 =	vld [tilespmem:s11+$0xFFFFFF80];
	_ =	sdelay $0x1  }
0x127: {  	s24 =	simm.s32 $0x1  }
0x128: {  	v3 =	vmov s24  }
0x129: {  	v3 =	vadd.s32 $0x100, v3  }
0x12a: {  	[tilespmem:s23+$0xFFFFFFA0] =	vst v2;
	v2 =	vand.u32 $0xFFFFFFFD, v3  }
0x12b: {  	v3 =	vld [tilespmem:s11+$0xFFFFFF90];
	v2 =	vbroadcast v2, $0x0;
	_ =	sdelay $0x4  }
0x12c: {  	[tilespmem:s23+$0xFFFFFFB0] =	vst v3  }
0x12d: {  	v2 =	vld.idx.msk [tilespmem:v2+s21+$0x0], $0xffff;
	_ =	sdelay $0x4  }
0x12e: {  	v2 =	vmul.f32 v2, v0;
	_ =	sdelay $0x1  }
0x12f: {  	v2 =	vadd.f32 v2, v1;
	_ =	sdelay $0x1  }
0x130: {  	[tilespmem:s23+$0xFFFFFFC0] =	vst v2  }
0x131: {  	v2 =	vld [tilespmem:s0+$0x0];
	_ =	sdelay $0x4  }
0x132: {  	[tilespmem:s23+$0x0] =	vst v2  }
0x133: {  	v2 =	vld [tilespmem:s0+$0x10];
	_ =	sdelay $0x4  }
0x134: {  	[tilespmem:s23+$0x10] =	vst v2  }
0x135: {  	v2 =	vld [tilespmem:s11+$0x0];
	_ =	sdelay $0x1  }
0x136: {  	s10 =	simm.s32 $0x2  }
0x137: {  	v3 =	vmov s10  }
0x138: {  	v3 =	vadd.s32 $0x100, v3  }
0x139: {  	[tilespmem:s23+$0x20] =	vst v2;
	v2 =	vand.u32 $0xFFFFFFFE, v3  }
0x13a: {  	v3 =	vld [tilespmem:s11+$0x10];
	v2 =	vbroadcast v2, $0x0;
	_ =	sdelay $0x4  }
0x13b: {  	[tilespmem:s23+$0x30] =	vst v3  }
0x13c: {  	v2 =	vld.idx.msk [tilespmem:v2+s21+$0x0], $0xffff;
	_ =	sdelay $0x4  }
0x13d: {  	v2 =	vmul.f32 v2, v0;
	_ =	sdelay $0x1  }
0x13e: {  	v2 =	vadd.f32 v2, v1;
	_ =	sdelay $0x1  }
0x13f: {  	[tilespmem:s23+$0x40] =	vst v2  }
0x140: {  	v2 =	vld [tilespmem:s0+$0x80];
	_ =	sdelay $0x4  }
0x141: {  	[tilespmem:s23+$0x80] =	vst v2  }
0x142: {  	v2 =	vld [tilespmem:s0+$0x90];
	_ =	sdelay $0x4  }
0x143: {  	[tilespmem:s23+$0x90] =	vst v2  }
0x144: {  	v2 =	vld [tilespmem:s11+$0x80];
	_ =	sdelay $0x2  }
0x145: {  	s24 =	simm.s32 $0x3  }
0x146: {  	v3 =	vmov s24  }
0x147: {  	[tilespmem:s23+$0xA0] =	vst v2;
	v2 =	vadd.s32 $0x100, v3  }
0x148: {  	v3 =	vld [tilespmem:s11+$0x90];
	v2 =	vbroadcast v2, $0x0;
	_ =	sdelay $0x4  }
0x149: {  	[tilespmem:s23+$0xB0] =	vst v3  }
0x14a: {  	v2 =	vld.idx.msk [tilespmem:v2+s21+$0x0], $0xffff;
	_ =	sdelay $0x4  }
0x14b: {  	v2 =	vmul.f32 v2, v0;
	_ =	sdelay $0x1  }
0x14c: {  	v2 =	vadd.f32 v2, v1;
	_ =	sdelay $0x1  }
0x14d: {  	s0 =	simm.s32 $0xC900;
	[tilespmem:s23+$0xC0] =	vst v2  }
0x14e: {  	s8 =	simm.s32 $0x8;
	s24 =	simm.s32 $0x4;
	v2 =	vld [tilespmem:s0+$0xFFFFFF00]  }
.LBB2_5:
0x14f: {  	p1 =	slt.u32 s8, $0x7C;
	_ =	sdelay $0x2  }
0x150: {  	s23 =	sadd.s32 $0x200, s23  }
0x151: {  	[tilespmem:s23+$0xFFFFFF00] =	vst v2  }
0x152: {  	v2 =	vld [tilespmem:s0+$0xFFFFFF10];
	_ =	sdelay $0x4  }
0x153: {  	s11 =	sadd.s32 $0x200, s11;
	[tilespmem:s23+$0xFFFFFF10] =	vst v2  }
0x154: {  	v2 =	vld [tilespmem:s11+$0xFFFFFF00];
	_ =	sdelay $0x2  }
0x155: {  	v3 =	vmov s24  }
0x156: {  	v3 =	vadd.s32 $0x100, v3  }
0x157: {  	[tilespmem:s23+$0xFFFFFF20] =	vst v2;
	v2 =	vand.u32 $0xFFFFFFFC, v3  }
0x158: {  	v3 =	vld [tilespmem:s11+$0xFFFFFF10];
	v2 =	vbroadcast v2, $0x0;
	_ =	sdelay $0x4  }
0x159: {  	[tilespmem:s23+$0xFFFFFF30] =	vst v3  }
0x15a: {  	v2 =	vld.idx.msk [tilespmem:v2+s21+$0x0], $0xffff;
	_ =	sdelay $0x5  }
0x15b: {  	v2 =	vmul.f32 v2, v0;
	_ =	sdelay $0x1  }
0x15c: {  	v2 =	vadd.f32 v2, v1;
	_ =	sdelay $0x1  }
0x15d: {  	[tilespmem:s23+$0xFFFFFF40] =	vst v2  }
0x15e: {  	v2 =	vld [tilespmem:s0+$0xFFFFFF80];
	_ =	sdelay $0x4  }
0x15f: {  	[tilespmem:s23+$0xFFFFFF80] =	vst v2  }
0x160: {  	v2 =	vld [tilespmem:s0+$0xFFFFFF90];
	_ =	sdelay $0x4  }
0x161: {  	[tilespmem:s23+$0xFFFFFF90] =	vst v2  }
0x162: {  	v2 =	vld [tilespmem:s11+$0xFFFFFF80];
	_ =	sdelay $0x1  }
0x163: {  	s10 =	sadd.s32 $0x1, s24  }
0x164: {  	v3 =	vmov s10  }
0x165: {  	v3 =	vadd.s32 $0x100, v3  }
0x166: {  	[tilespmem:s23+$0xFFFFFFA0] =	vst v2;
	v2 =	vand.u32 $0xFFFFFFFD, v3  }
0x167: {  	v3 =	vld [tilespmem:s11+$0xFFFFFF90];
	v2 =	vbroadcast v2, $0x0;
	_ =	sdelay $0x4  }
0x168: {  	[tilespmem:s23+$0xFFFFFFB0] =	vst v3  }
0x169: {  	v2 =	vld.idx.msk [tilespmem:v2+s21+$0x0], $0xffff;
	_ =	sdelay $0x5  }
0x16a: {  	v2 =	vmul.f32 v2, v0;
	_ =	sdelay $0x1  }
0x16b: {  	v2 =	vadd.f32 v2, v1;
	_ =	sdelay $0x1  }
0x16c: {  	[tilespmem:s23+$0xFFFFFFC0] =	vst v2  }
0x16d: {  	v2 =	vld [tilespmem:s0+$0x0];
	_ =	sdelay $0x4  }
0x16e: {  	[tilespmem:s23+$0x0] =	vst v2  }
0x16f: {  	v2 =	vld [tilespmem:s0+$0x10];
	_ =	sdelay $0x4  }
0x170: {  	[tilespmem:s23+$0x10] =	vst v2  }
0x171: {  	v2 =	vld [tilespmem:s11+$0x0];
	_ =	sdelay $0x1  }
0x172: {  	s10 =	sadd.s32 $0x2, s24  }
0x173: {  	v3 =	vmov s10  }
0x174: {  	v3 =	vadd.s32 $0x100, v3  }
0x175: {  	[tilespmem:s23+$0x20] =	vst v2;
	v2 =	vand.u32 $0xFFFFFFFE, v3  }
0x176: {  	v3 =	vld [tilespmem:s11+$0x10];
	v2 =	vbroadcast v2, $0x0;
	_ =	sdelay $0x4  }
0x177: {  	[tilespmem:s23+$0x30] =	vst v3  }
0x178: {  	v2 =	vld.idx.msk [tilespmem:v2+s21+$0x0], $0xffff;
	_ =	sdelay $0x5  }
0x179: {  	v2 =	vmul.f32 v2, v0;
	_ =	sdelay $0x1  }
0x17a: {  	v2 =	vadd.f32 v2, v1;
	_ =	sdelay $0x1  }
0x17b: {  	[tilespmem:s23+$0x40] =	vst v2  }
0x17c: {  	v2 =	vld [tilespmem:s0+$0x80];
	_ =	sdelay $0x4  }
0x17d: {  	[tilespmem:s23+$0x80] =	vst v2  }
0x17e: {  	v2 =	vld [tilespmem:s0+$0x90];
	_ =	sdelay $0x4  }
0x17f: {  	[tilespmem:s23+$0x90] =	vst v2  }
0x180: {  	v2 =	vld [tilespmem:s11+$0x80];
	_ =	sdelay $0x2  }
0x181: {  	s10 =	sadd.s32 $0x3, s24;
	s24 =	smov.u32 s8  }
0x182: {  	v3 =	vmov s10  }
0x183: {  	[tilespmem:s23+$0xA0] =	vst v2;
	v2 =	vadd.s32 $0x100, v3  }
0x184: {  	v3 =	vld [tilespmem:s11+$0x90];
	v2 =	vbroadcast v2, $0x0;
	_ =	sdelay $0x4  }
0x185: {  	[tilespmem:s23+$0xB0] =	vst v3  }
0x186: {  	v2 =	vld.idx.msk [tilespmem:v2+s21+$0x0], $0xffff;
	_ =	sdelay $0x5  }
0x187: {  	v2 =	vmul.f32 v2, v0  }
.Ltmp3:
0x188: {  	(pc) =	sbr.rel @p1 .LBB2_5-.Ltmp3, $3  }
0x189: {  	v2 =	vadd.f32 v2, v1;
	_ =	sdelay $0x1  }
0x18a: {  	s0 =	sadd.s32 $0x200, s0;
	[tilespmem:s23+$0xC0] =	vst v2  }
0x18b: {  	s8 =	sadd.s32 $0x4, s8;
	v2 =	vld [tilespmem:s0+$0xFFFFFF00]  }
0x18c: {  	_ =	sdelay $0x2  }
0x18d: {  	s8 =	sadd.s32 $0x200, s23  }
0x18e: {  	[tilespmem:s8+$0xFFFFFF00] =	vst v2  }
0x18f: {  	v2 =	vld [tilespmem:s0+$0xFFFFFF10];
	_ =	sdelay $0x4  }
0x190: {  	s10 =	sadd.s32 $0x200, s11;
	[tilespmem:s8+$0xFFFFFF10] =	vst v2  }
0x191: {  	v2 =	vld [tilespmem:s10+$0xFFFFFF00];
	_ =	sdelay $0x2  }
0x192: {  	v3 =	vmov s24  }
0x193: {  	v3 =	vadd.s32 $0x100, v3  }
0x194: {  	[tilespmem:s8+$0xFFFFFF20] =	vst v2;
	v2 =	vand.u32 $0xFFFFFFFC, v3  }
0x195: {  	v3 =	vld [tilespmem:s10+$0xFFFFFF10];
	v2 =	vbroadcast v2, $0x0;
	_ =	sdelay $0x4  }
0x196: {  	[tilespmem:s8+$0xFFFFFF30] =	vst v3  }
0x197: {  	v2 =	vld.idx.msk [tilespmem:v2+s21+$0x0], $0xffff;
	_ =	sdelay $0x4  }
0x198: {  	v2 =	vmul.f32 v2, v0;
	_ =	sdelay $0x1  }
0x199: {  	v2 =	vadd.f32 v2, v1;
	_ =	sdelay $0x1  }
0x19a: {  	[tilespmem:s8+$0xFFFFFF40] =	vst v2  }
0x19b: {  	v2 =	vld [tilespmem:s0+$0xFFFFFF80];
	_ =	sdelay $0x4  }
0x19c: {  	[tilespmem:s8+$0xFFFFFF80] =	vst v2  }
0x19d: {  	v2 =	vld [tilespmem:s0+$0xFFFFFF90];
	_ =	sdelay $0x4  }
0x19e: {  	[tilespmem:s8+$0xFFFFFF90] =	vst v2  }
0x19f: {  	v2 =	vld [tilespmem:s10+$0xFFFFFF80];
	_ =	sdelay $0x1  }
0x1a0: {  	s23 =	sadd.s32 $0x1, s24  }
0x1a1: {  	v3 =	vmov s23  }
0x1a2: {  	v3 =	vadd.s32 $0x100, v3  }
0x1a3: {  	[tilespmem:s8+$0xFFFFFFA0] =	vst v2;
	v2 =	vand.u32 $0xFFFFFFFD, v3  }
0x1a4: {  	v3 =	vld [tilespmem:s10+$0xFFFFFF90];
	v2 =	vbroadcast v2, $0x0;
	_ =	sdelay $0x4  }
0x1a5: {  	[tilespmem:s8+$0xFFFFFFB0] =	vst v3  }
0x1a6: {  	v2 =	vld.idx.msk [tilespmem:v2+s21+$0x0], $0xffff;
	_ =	sdelay $0x4  }
0x1a7: {  	v2 =	vmul.f32 v2, v0;
	_ =	sdelay $0x1  }
0x1a8: {  	v2 =	vadd.f32 v2, v1;
	_ =	sdelay $0x1  }
0x1a9: {  	[tilespmem:s8+$0xFFFFFFC0] =	vst v2  }
0x1aa: {  	v2 =	vld [tilespmem:s0+$0x0];
	_ =	sdelay $0x4  }
0x1ab: {  	[tilespmem:s8+$0x0] =	vst v2  }
0x1ac: {  	v2 =	vld [tilespmem:s0+$0x10];
	_ =	sdelay $0x4  }
0x1ad: {  	[tilespmem:s8+$0x10] =	vst v2  }
0x1ae: {  	v2 =	vld [tilespmem:s10+$0x0];
	_ =	sdelay $0x1  }
0x1af: {  	s23 =	sadd.s32 $0x2, s24  }
0x1b0: {  	v3 =	vmov s23  }
0x1b1: {  	v3 =	vadd.s32 $0x100, v3  }
0x1b2: {  	[tilespmem:s8+$0x20] =	vst v2;
	v2 =	vand.u32 $0xFFFFFFFE, v3  }
0x1b3: {  	v3 =	vld [tilespmem:s10+$0x10];
	v2 =	vbroadcast v2, $0x0;
	_ =	sdelay $0x4  }
0x1b4: {  	[tilespmem:s8+$0x30] =	vst v3  }
0x1b5: {  	v2 =	vld.idx.msk [tilespmem:v2+s21+$0x0], $0xffff;
	_ =	sdelay $0x4  }
0x1b6: {  	v2 =	vmul.f32 v2, v0;
	_ =	sdelay $0x1  }
0x1b7: {  	v2 =	vadd.f32 v2, v1;
	_ =	sdelay $0x1  }
0x1b8: {  	[tilespmem:s8+$0x40] =	vst v2  }
0x1b9: {  	v2 =	vld [tilespmem:s0+$0x80];
	_ =	sdelay $0x4  }
0x1ba: {  	[tilespmem:s8+$0x80] =	vst v2  }
0x1bb: {  	v2 =	vld [tilespmem:s0+$0x90];
	_ =	sdelay $0x4  }
0x1bc: {  	[tilespmem:s8+$0x90] =	vst v2  }
0x1bd: {  	v2 =	vld [tilespmem:s10+$0x80];
	_ =	sdelay $0x2  }
0x1be: {  	s23 =	sadd.s32 $0x3, s24  }
0x1bf: {  	v3 =	vmov s23  }
0x1c0: {  	[tilespmem:s8+$0xA0] =	vst v2;
	v2 =	vadd.s32 $0x100, v3  }
0x1c1: {  	v3 =	vld [tilespmem:s10+$0x90];
	v2 =	vbroadcast v2, $0x0;
	_ =	sdelay $0x4  }
0x1c2: {  	[tilespmem:s8+$0xB0] =	vst v3  }
0x1c3: {  	v2 =	vld.idx.msk [tilespmem:v2+s21+$0x0], $0xffff;
	_ =	sdelay $0x4  }
0x1c4: {  	v2 =	vmul.f32 v2, v0;
	_ =	sdelay $0x1  }
0x1c5: {  	v2 =	vadd.f32 v2, v1;
	_ =	sdelay $0x1  }
0x1c6: {  	s24 =	sadd.s32 s26, s14;
	[tilespmem:s8+$0xC0] =	vst v2  }
0x1c7: {  	[hbm4b:s24+s7] =	stream.linear.scatter [tilespmem:s18], [sflag:$0x8], $0x4000, $0x38;
	[tilespmem:$0x18700] =	vst v63  }
0x1c8: {  	s0 =	sadd.s32 @!p0 $0xF0, s4;
	s10 =	simm.s32 @!p0 $0x180;
	s8 =	simm.s32 @!p0 $0x0  }
0x1c9: {  	[tilespmem:s10], [sflag:$0x2] =	stream.linear.gather @!p0 [hbm4b:s0+s8], $0x180, $0x38;
	[tilespmem:$0x18700] =	vst v63  }
0x1ca: {  	_ =	swait.ge [sflag:s20], $0x180  }
0x1cb: {  	[sflag:s20] =	ssyncset.done $0x0  }
0x1cc: {  	[sflag:s20] =	ssyncadd.s32 $0xFFFFFE80  }
0x1cd: {  	[tilespmem:s25], [sflag:$0x6] =	stream.indirect.gather [hbm4b:s2+s22], $0x80, s30, s22, $0xb8;
	[tilespmem:$0x18700] =	vst v63  }
0x1ce: {  	s8 =	simm.s32 $0x500  }
0x1cf: {  	[tilespmem:s28], [sflag:$0x6] =	stream.indirect.gather [hbm4b:s3+s22], $0x80, s8, s22, $0xb8;
	[tilespmem:$0x18700] =	vst v63  }
0x1d0: {  	_ =	swait.ge [sflag:s31], $0x4000  }
0x1d1: {  	[sflag:s31] =	ssyncset.done $0x0  }
0x1d2: {  	[sflag:s31] =	ssyncadd.s32 $0xFFFFC000  }
0x1d3: {  	_ =	swait.ge [sflag:s31], $0x4000  }
0x1d4: {  	[sflag:s31] =	ssyncset.done $0x0  }
0x1d5: {  	[sflag:s31] =	ssyncadd.s32 $0xFFFFC000  }
0x1d6: {  	_ =	swait.ge [sflag:s12], $0x4000  }
0x1d7: {  	[sflag:s12] =	ssyncset.done $0x0  }
0x1d8: {  	s0 =	simm.s32 $0x700;
	[sflag:s12] =	ssyncadd.s32 $0xFFFFC000  }
0x1d9: {  	v2 =	vld [tilespmem:s0+$0xFFFFFF00];
	_ =	sdelay $0x3  }
0x1da: {  	s23 =	simm.s32 $0x8700  }
0x1db: {  	[tilespmem:s23+$0xFFFFFF00] =	vst v2  }
0x1dc: {  	v2 =	vld [tilespmem:s0+$0xFFFFFF10];
	_ =	sdelay $0x4  }
0x1dd: {  	s11 =	simm.s32 $0x4700;
	[tilespmem:s23+$0xFFFFFF10] =	vst v2  }
0x1de: {  	v2 =	vld [tilespmem:s11+$0xFFFFFF00];
	_ =	sdelay $0x1  }
0x1df: {  	s10 =	simm.s32 $0x0  }
0x1e0: {  	v3 =	vmov s10  }
0x1e1: {  	v3 =	vadd.s32 $0x100, v3  }
0x1e2: {  	[tilespmem:s23+$0xFFFFFF20] =	vst v2;
	v2 =	vand.u32 $0xFFFFFFFC, v3  }
0x1e3: {  	v3 =	vld [tilespmem:s11+$0xFFFFFF10];
	v2 =	vbroadcast v2, $0x0;
	_ =	sdelay $0x4  }
0x1e4: {  	[tilespmem:s23+$0xFFFFFF30] =	vst v3  }
0x1e5: {  	v2 =	vld.idx.msk [tilespmem:v2+s29+$0x0], $0xffff;
	_ =	sdelay $0x4  }
0x1e6: {  	v2 =	vmul.f32 v2, v0;
	_ =	sdelay $0x1  }
0x1e7: {  	v2 =	vadd.f32 v2, v1;
	_ =	sdelay $0x1  }
0x1e8: {  	[tilespmem:s23+$0xFFFFFF40] =	vst v2  }
0x1e9: {  	v2 =	vld [tilespmem:s0+$0xFFFFFF80];
	_ =	sdelay $0x4  }
0x1ea: {  	[tilespmem:s23+$0xFFFFFF80] =	vst v2  }
0x1eb: {  	v2 =	vld [tilespmem:s0+$0xFFFFFF90];
	_ =	sdelay $0x4  }
0x1ec: {  	[tilespmem:s23+$0xFFFFFF90] =	vst v2  }
0x1ed: {  	v2 =	vld [tilespmem:s11+$0xFFFFFF80];
	_ =	sdelay $0x1  }
0x1ee: {  	s24 =	simm.s32 $0x1  }
0x1ef: {  	v3 =	vmov s24  }
0x1f0: {  	v3 =	vadd.s32 $0x100, v3  }
0x1f1: {  	[tilespmem:s23+$0xFFFFFFA0] =	vst v2;
	v2 =	vand.u32 $0xFFFFFFFD, v3  }
0x1f2: {  	v3 =	vld [tilespmem:s11+$0xFFFFFF90];
	v2 =	vbroadcast v2, $0x0;
	_ =	sdelay $0x4  }
0x1f3: {  	[tilespmem:s23+$0xFFFFFFB0] =	vst v3  }
0x1f4: {  	v2 =	vld.idx.msk [tilespmem:v2+s29+$0x0], $0xffff;
	_ =	sdelay $0x4  }
0x1f5: {  	v2 =	vmul.f32 v2, v0;
	_ =	sdelay $0x1  }
0x1f6: {  	v2 =	vadd.f32 v2, v1;
	_ =	sdelay $0x1  }
0x1f7: {  	[tilespmem:s23+$0xFFFFFFC0] =	vst v2  }
0x1f8: {  	v2 =	vld [tilespmem:s0+$0x0];
	_ =	sdelay $0x4  }
0x1f9: {  	[tilespmem:s23+$0x0] =	vst v2  }
0x1fa: {  	v2 =	vld [tilespmem:s0+$0x10];
	_ =	sdelay $0x4  }
0x1fb: {  	[tilespmem:s23+$0x10] =	vst v2  }
0x1fc: {  	v2 =	vld [tilespmem:s11+$0x0];
	_ =	sdelay $0x1  }
0x1fd: {  	s10 =	simm.s32 $0x2  }
0x1fe: {  	v3 =	vmov s10  }
0x1ff: {  	v3 =	vadd.s32 $0x100, v3  }
0x200: {  	[tilespmem:s23+$0x20] =	vst v2;
	v2 =	vand.u32 $0xFFFFFFFE, v3  }
0x201: {  	v3 =	vld [tilespmem:s11+$0x10];
	v2 =	vbroadcast v2, $0x0;
	_ =	sdelay $0x4  }
0x202: {  	[tilespmem:s23+$0x30] =	vst v3  }
0x203: {  	v2 =	vld.idx.msk [tilespmem:v2+s29+$0x0], $0xffff;
	_ =	sdelay $0x4  }
0x204: {  	v2 =	vmul.f32 v2, v0;
	_ =	sdelay $0x1  }
0x205: {  	v2 =	vadd.f32 v2, v1;
	_ =	sdelay $0x1  }
0x206: {  	[tilespmem:s23+$0x40] =	vst v2  }
0x207: {  	v2 =	vld [tilespmem:s0+$0x80];
	_ =	sdelay $0x4  }
0x208: {  	[tilespmem:s23+$0x80] =	vst v2  }
0x209: {  	v2 =	vld [tilespmem:s0+$0x90];
	_ =	sdelay $0x4  }
0x20a: {  	[tilespmem:s23+$0x90] =	vst v2  }
0x20b: {  	v2 =	vld [tilespmem:s11+$0x80];
	_ =	sdelay $0x2  }
0x20c: {  	s24 =	simm.s32 $0x3  }
0x20d: {  	v3 =	vmov s24  }
0x20e: {  	[tilespmem:s23+$0xA0] =	vst v2;
	v2 =	vadd.s32 $0x100, v3  }
0x20f: {  	v3 =	vld [tilespmem:s11+$0x90];
	v2 =	vbroadcast v2, $0x0;
	_ =	sdelay $0x4  }
0x210: {  	[tilespmem:s23+$0xB0] =	vst v3  }
0x211: {  	v2 =	vld.idx.msk [tilespmem:v2+s29+$0x0], $0xffff;
	_ =	sdelay $0x4  }
0x212: {  	v2 =	vmul.f32 v2, v0;
	_ =	sdelay $0x1  }
0x213: {  	v2 =	vadd.f32 v2, v1;
	_ =	sdelay $0x1  }
0x214: {  	s0 =	simm.s32 $0x900;
	[tilespmem:s23+$0xC0] =	vst v2  }
0x215: {  	s8 =	simm.s32 $0x8;
	s24 =	simm.s32 $0x4;
	v2 =	vld [tilespmem:s0+$0xFFFFFF00]  }
.LBB2_7:
0x216: {  	p1 =	slt.u32 s8, $0x7C;
	_ =	sdelay $0x2  }
0x217: {  	s23 =	sadd.s32 $0x200, s23  }
0x218: {  	[tilespmem:s23+$0xFFFFFF00] =	vst v2  }
0x219: {  	v2 =	vld [tilespmem:s0+$0xFFFFFF10];
	_ =	sdelay $0x4  }
0x21a: {  	s11 =	sadd.s32 $0x200, s11;
	[tilespmem:s23+$0xFFFFFF10] =	vst v2  }
0x21b: {  	v2 =	vld [tilespmem:s11+$0xFFFFFF00];
	_ =	sdelay $0x2  }
0x21c: {  	v3 =	vmov s24  }
0x21d: {  	v3 =	vadd.s32 $0x100, v3  }
0x21e: {  	[tilespmem:s23+$0xFFFFFF20] =	vst v2;
	v2 =	vand.u32 $0xFFFFFFFC, v3  }
0x21f: {  	v3 =	vld [tilespmem:s11+$0xFFFFFF10];
	v2 =	vbroadcast v2, $0x0;
	_ =	sdelay $0x4  }
0x220: {  	[tilespmem:s23+$0xFFFFFF30] =	vst v3  }
0x221: {  	v2 =	vld.idx.msk [tilespmem:v2+s29+$0x0], $0xffff;
	_ =	sdelay $0x5  }
0x222: {  	v2 =	vmul.f32 v2, v0;
	_ =	sdelay $0x1  }
0x223: {  	v2 =	vadd.f32 v2, v1;
	_ =	sdelay $0x1  }
0x224: {  	[tilespmem:s23+$0xFFFFFF40] =	vst v2  }
0x225: {  	v2 =	vld [tilespmem:s0+$0xFFFFFF80];
	_ =	sdelay $0x4  }
0x226: {  	[tilespmem:s23+$0xFFFFFF80] =	vst v2  }
0x227: {  	v2 =	vld [tilespmem:s0+$0xFFFFFF90];
	_ =	sdelay $0x4  }
0x228: {  	[tilespmem:s23+$0xFFFFFF90] =	vst v2  }
0x229: {  	v2 =	vld [tilespmem:s11+$0xFFFFFF80];
	_ =	sdelay $0x1  }
0x22a: {  	s10 =	sadd.s32 $0x1, s24  }
0x22b: {  	v3 =	vmov s10  }
0x22c: {  	v3 =	vadd.s32 $0x100, v3  }
0x22d: {  	[tilespmem:s23+$0xFFFFFFA0] =	vst v2;
	v2 =	vand.u32 $0xFFFFFFFD, v3  }
0x22e: {  	v3 =	vld [tilespmem:s11+$0xFFFFFF90];
	v2 =	vbroadcast v2, $0x0;
	_ =	sdelay $0x4  }
0x22f: {  	[tilespmem:s23+$0xFFFFFFB0] =	vst v3  }
0x230: {  	v2 =	vld.idx.msk [tilespmem:v2+s29+$0x0], $0xffff;
	_ =	sdelay $0x5  }
0x231: {  	v2 =	vmul.f32 v2, v0;
	_ =	sdelay $0x1  }
0x232: {  	v2 =	vadd.f32 v2, v1;
	_ =	sdelay $0x1  }
0x233: {  	[tilespmem:s23+$0xFFFFFFC0] =	vst v2  }
0x234: {  	v2 =	vld [tilespmem:s0+$0x0];
	_ =	sdelay $0x4  }
0x235: {  	[tilespmem:s23+$0x0] =	vst v2  }
0x236: {  	v2 =	vld [tilespmem:s0+$0x10];
	_ =	sdelay $0x4  }
0x237: {  	[tilespmem:s23+$0x10] =	vst v2  }
0x238: {  	v2 =	vld [tilespmem:s11+$0x0];
	_ =	sdelay $0x1  }
0x239: {  	s10 =	sadd.s32 $0x2, s24  }
0x23a: {  	v3 =	vmov s10  }
0x23b: {  	v3 =	vadd.s32 $0x100, v3  }
0x23c: {  	[tilespmem:s23+$0x20] =	vst v2;
	v2 =	vand.u32 $0xFFFFFFFE, v3  }
0x23d: {  	v3 =	vld [tilespmem:s11+$0x10];
	v2 =	vbroadcast v2, $0x0;
	_ =	sdelay $0x4  }
0x23e: {  	[tilespmem:s23+$0x30] =	vst v3  }
0x23f: {  	v2 =	vld.idx.msk [tilespmem:v2+s29+$0x0], $0xffff;
	_ =	sdelay $0x5  }
0x240: {  	v2 =	vmul.f32 v2, v0;
	_ =	sdelay $0x1  }
0x241: {  	v2 =	vadd.f32 v2, v1;
	_ =	sdelay $0x1  }
0x242: {  	[tilespmem:s23+$0x40] =	vst v2  }
0x243: {  	v2 =	vld [tilespmem:s0+$0x80];
	_ =	sdelay $0x4  }
0x244: {  	[tilespmem:s23+$0x80] =	vst v2  }
0x245: {  	v2 =	vld [tilespmem:s0+$0x90];
	_ =	sdelay $0x4  }
0x246: {  	[tilespmem:s23+$0x90] =	vst v2  }
0x247: {  	v2 =	vld [tilespmem:s11+$0x80];
	_ =	sdelay $0x2  }
0x248: {  	s10 =	sadd.s32 $0x3, s24;
	s24 =	smov.u32 s8  }
0x249: {  	v3 =	vmov s10  }
0x24a: {  	[tilespmem:s23+$0xA0] =	vst v2;
	v2 =	vadd.s32 $0x100, v3  }
0x24b: {  	v3 =	vld [tilespmem:s11+$0x90];
	v2 =	vbroadcast v2, $0x0;
	_ =	sdelay $0x4  }
0x24c: {  	[tilespmem:s23+$0xB0] =	vst v3  }
0x24d: {  	v2 =	vld.idx.msk [tilespmem:v2+s29+$0x0], $0xffff;
	_ =	sdelay $0x5  }
0x24e: {  	v2 =	vmul.f32 v2, v0  }
.Ltmp4:
0x24f: {  	(pc) =	sbr.rel @p1 .LBB2_7-.Ltmp4, $3  }
0x250: {  	v2 =	vadd.f32 v2, v1;
	_ =	sdelay $0x1  }
0x251: {  	s0 =	sadd.s32 $0x200, s0;
	[tilespmem:s23+$0xC0] =	vst v2  }
0x252: {  	s8 =	sadd.s32 $0x4, s8;
	v2 =	vld [tilespmem:s0+$0xFFFFFF00]  }
0x253: {  	_ =	sdelay $0x2  }
0x254: {  	s8 =	sadd.s32 $0x200, s23  }
0x255: {  	[tilespmem:s8+$0xFFFFFF00] =	vst v2  }
0x256: {  	v2 =	vld [tilespmem:s0+$0xFFFFFF10];
	_ =	sdelay $0x4  }
0x257: {  	s10 =	sadd.s32 $0x200, s11;
	[tilespmem:s8+$0xFFFFFF10] =	vst v2  }
0x258: {  	v2 =	vld [tilespmem:s10+$0xFFFFFF00];
	_ =	sdelay $0x2  }
0x259: {  	v3 =	vmov s24  }
0x25a: {  	v3 =	vadd.s32 $0x100, v3  }
0x25b: {  	[tilespmem:s8+$0xFFFFFF20] =	vst v2;
	v2 =	vand.u32 $0xFFFFFFFC, v3  }
0x25c: {  	v3 =	vld [tilespmem:s10+$0xFFFFFF10];
	v2 =	vbroadcast v2, $0x0;
	_ =	sdelay $0x4  }
0x25d: {  	[tilespmem:s8+$0xFFFFFF30] =	vst v3  }
0x25e: {  	v2 =	vld.idx.msk [tilespmem:v2+s29+$0x0], $0xffff;
	_ =	sdelay $0x4  }
0x25f: {  	v2 =	vmul.f32 v2, v0;
	_ =	sdelay $0x1  }
0x260: {  	v2 =	vadd.f32 v2, v1;
	_ =	sdelay $0x1  }
0x261: {  	[tilespmem:s8+$0xFFFFFF40] =	vst v2  }
0x262: {  	v2 =	vld [tilespmem:s0+$0xFFFFFF80];
	_ =	sdelay $0x4  }
0x263: {  	[tilespmem:s8+$0xFFFFFF80] =	vst v2  }
0x264: {  	v2 =	vld [tilespmem:s0+$0xFFFFFF90];
	_ =	sdelay $0x4  }
0x265: {  	[tilespmem:s8+$0xFFFFFF90] =	vst v2  }
0x266: {  	v2 =	vld [tilespmem:s10+$0xFFFFFF80];
	_ =	sdelay $0x1  }
0x267: {  	s23 =	sadd.s32 $0x1, s24  }
0x268: {  	v3 =	vmov s23  }
0x269: {  	v3 =	vadd.s32 $0x100, v3  }
0x26a: {  	[tilespmem:s8+$0xFFFFFFA0] =	vst v2;
	v2 =	vand.u32 $0xFFFFFFFD, v3  }
0x26b: {  	v3 =	vld [tilespmem:s10+$0xFFFFFF90];
	v2 =	vbroadcast v2, $0x0;
	_ =	sdelay $0x4  }
0x26c: {  	[tilespmem:s8+$0xFFFFFFB0] =	vst v3  }
0x26d: {  	v2 =	vld.idx.msk [tilespmem:v2+s29+$0x0], $0xffff;
	_ =	sdelay $0x4  }
0x26e: {  	v2 =	vmul.f32 v2, v0;
	_ =	sdelay $0x1  }
0x26f: {  	v2 =	vadd.f32 v2, v1;
	_ =	sdelay $0x1  }
0x270: {  	[tilespmem:s8+$0xFFFFFFC0] =	vst v2  }
0x271: {  	v2 =	vld [tilespmem:s0+$0x0];
	_ =	sdelay $0x4  }
0x272: {  	[tilespmem:s8+$0x0] =	vst v2  }
0x273: {  	v2 =	vld [tilespmem:s0+$0x10];
	_ =	sdelay $0x4  }
0x274: {  	[tilespmem:s8+$0x10] =	vst v2  }
0x275: {  	v2 =	vld [tilespmem:s10+$0x0];
	_ =	sdelay $0x1  }
0x276: {  	s23 =	sadd.s32 $0x2, s24  }
0x277: {  	v3 =	vmov s23  }
0x278: {  	v3 =	vadd.s32 $0x100, v3  }
0x279: {  	[tilespmem:s8+$0x20] =	vst v2;
	v2 =	vand.u32 $0xFFFFFFFE, v3  }
0x27a: {  	v3 =	vld [tilespmem:s10+$0x10];
	v2 =	vbroadcast v2, $0x0;
	_ =	sdelay $0x4  }
0x27b: {  	[tilespmem:s8+$0x30] =	vst v3  }
0x27c: {  	v2 =	vld.idx.msk [tilespmem:v2+s29+$0x0], $0xffff;
	_ =	sdelay $0x4  }
0x27d: {  	v2 =	vmul.f32 v2, v0;
	_ =	sdelay $0x1  }
0x27e: {  	v2 =	vadd.f32 v2, v1;
	_ =	sdelay $0x1  }
0x27f: {  	[tilespmem:s8+$0x40] =	vst v2  }
0x280: {  	v2 =	vld [tilespmem:s0+$0x80];
	_ =	sdelay $0x4  }
0x281: {  	[tilespmem:s8+$0x80] =	vst v2  }
0x282: {  	v2 =	vld [tilespmem:s0+$0x90];
	_ =	sdelay $0x4  }
0x283: {  	[tilespmem:s8+$0x90] =	vst v2  }
0x284: {  	v2 =	vld [tilespmem:s10+$0x80];
	_ =	sdelay $0x2  }
0x285: {  	s11 =	sadd.s32 $0x3, s24  }
0x286: {  	v3 =	vmov s11  }
0x287: {  	[tilespmem:s8+$0xA0] =	vst v2;
	v2 =	vadd.s32 $0x100, v3  }
0x288: {  	v3 =	vld [tilespmem:s10+$0x90];
	v2 =	vbroadcast v2, $0x0;
	_ =	sdelay $0x4  }
0x289: {  	[tilespmem:s8+$0xB0] =	vst v3  }
0x28a: {  	v2 =	vld.idx.msk [tilespmem:v2+s29+$0x0], $0xffff;
	_ =	sdelay $0x4  }
0x28b: {  	v2 =	vmul.f32 v2, v0;
	_ =	sdelay $0x1  }
0x28c: {  	v2 =	vadd.f32 v2, v1;
	_ =	sdelay $0x1  }
0x28d: {  	s23 =	sadd.s32 s26, s15;
	[tilespmem:s8+$0xC0] =	vst v2  }
0x28e: {  	[hbm4b:s23+s7] =	stream.linear.scatter [tilespmem:s5], [sflag:$0x7], $0x4000, $0x38;
	[tilespmem:$0x18700] =	vst v63  }
0x28f: {  	s0 =	sadd.s32 @!p0 $0x120, s4;
	s4 =	simm.s32 @!p0 $0x0;
	s8 =	simm.s32 @!p0 $0x300  }
0x290: {  	[tilespmem:s8], [sflag:$0x3] =	stream.linear.gather @!p0 [hbm4b:s0+s4], $0x180, $0x38;
	[tilespmem:$0x18700] =	vst v63  }
0x291: {  	s0 =	simm.s32 @!p0 $0x1  }
0x292: {  	_ =	swait.ge @!p0 [sflag:s0], $0x180  }
0x293: {  	[sflag:s0] =	ssyncset.done @!p0 $0x0  }
0x294: {  	s8 =	simm.s32 @!p0 $0x600;
	[sflag:s0] =	ssyncadd.s32 @!p0 $0xFFFFFE80;
	s0 =	simm.s32 @!p0 $0x80  }
0x295: {  	[tilespmem:s8], [sflag:$0x5] =	stream.indirect.gather @!p0 [hbm4b:s2+s0], $0x80, s4, s0, $0xb8;
	[tilespmem:$0x18700] =	vst v63  }
0x296: {  	s4 =	simm.s32 @!p0 $0x4600  }
0x297: {  	[tilespmem:s4], [sflag:$0x5] =	stream.indirect.gather @!p0 [hbm4b:s3+s0], $0x80, s0, s0, $0xb8;
	[tilespmem:$0x18700] =	vst v63  }
0x298: {  	_ =	swait.ge [sflag:s6], $0x4000  }
0x299: {  	[sflag:s6] =	ssyncset.done $0x0  }
0x29a: {  	[sflag:s6] =	ssyncadd.s32 $0xFFFFC000  }
0x29b: {  	_ =	swait.ge [sflag:s6], $0x4000  }
0x29c: {  	[sflag:s6] =	ssyncset.done $0x0  }
0x29d: {  	[sflag:s6] =	ssyncadd.s32 $0xFFFFC000  }
0x29e: {  	_ =	swait.ge [sflag:s13], $0x4000  }
0x29f: {  	[sflag:s13] =	ssyncset.done $0x0  }
0x2a0: {  	s0 =	simm.s32 $0xC700;
	[sflag:s13] =	ssyncadd.s32 $0xFFFFC000  }
0x2a1: {  	v2 =	vld [tilespmem:s0+$0xFFFFFF00];
	_ =	sdelay $0x3  }
0x2a2: {  	s11 =	simm.s32 $0x14700  }
0x2a3: {  	[tilespmem:s11+$0xFFFFFF00] =	vst v2  }
0x2a4: {  	v2 =	vld [tilespmem:s0+$0xFFFFFF10];
	_ =	sdelay $0x4  }
0x2a5: {  	s4 =	simm.s32 $0x10700;
	[tilespmem:s11+$0xFFFFFF10] =	vst v2  }
0x2a6: {  	v2 =	vld [tilespmem:s4+$0xFFFFFF00];
	_ =	sdelay $0x1  }
0x2a7: {  	s24 =	simm.s32 $0x0  }
0x2a8: {  	v3 =	vmov s24  }
0x2a9: {  	v3 =	vadd.s32 $0x100, v3  }
0x2aa: {  	[tilespmem:s11+$0xFFFFFF20] =	vst v2;
	v2 =	vand.u32 $0xFFFFFFFC, v3  }
0x2ab: {  	v3 =	vld [tilespmem:s4+$0xFFFFFF10];
	v2 =	vbroadcast v2, $0x0;
	_ =	sdelay $0x4  }
0x2ac: {  	[tilespmem:s11+$0xFFFFFF30] =	vst v3  }
0x2ad: {  	v2 =	vld.idx.msk [tilespmem:v2+s30+$0x0], $0xffff;
	_ =	sdelay $0x4  }
0x2ae: {  	v2 =	vmul.f32 v2, v0;
	_ =	sdelay $0x1  }
0x2af: {  	v2 =	vadd.f32 v2, v1;
	_ =	sdelay $0x1  }
0x2b0: {  	[tilespmem:s11+$0xFFFFFF40] =	vst v2  }
0x2b1: {  	v2 =	vld [tilespmem:s0+$0xFFFFFF80];
	_ =	sdelay $0x4  }
0x2b2: {  	[tilespmem:s11+$0xFFFFFF80] =	vst v2  }
0x2b3: {  	v2 =	vld [tilespmem:s0+$0xFFFFFF90];
	_ =	sdelay $0x4  }
0x2b4: {  	[tilespmem:s11+$0xFFFFFF90] =	vst v2  }
0x2b5: {  	v2 =	vld [tilespmem:s4+$0xFFFFFF80];
	_ =	sdelay $0x1  }
0x2b6: {  	s10 =	simm.s32 $0x1  }
0x2b7: {  	v3 =	vmov s10  }
0x2b8: {  	v3 =	vadd.s32 $0x100, v3  }
0x2b9: {  	[tilespmem:s11+$0xFFFFFFA0] =	vst v2;
	v2 =	vand.u32 $0xFFFFFFFD, v3  }
0x2ba: {  	v3 =	vld [tilespmem:s4+$0xFFFFFF90];
	v2 =	vbroadcast v2, $0x0;
	_ =	sdelay $0x4  }
0x2bb: {  	[tilespmem:s11+$0xFFFFFFB0] =	vst v3  }
0x2bc: {  	v2 =	vld.idx.msk [tilespmem:v2+s30+$0x0], $0xffff;
	_ =	sdelay $0x4  }
0x2bd: {  	v2 =	vmul.f32 v2, v0;
	_ =	sdelay $0x1  }
0x2be: {  	v2 =	vadd.f32 v2, v1;
	_ =	sdelay $0x1  }
0x2bf: {  	[tilespmem:s11+$0xFFFFFFC0] =	vst v2  }
0x2c0: {  	v2 =	vld [tilespmem:s0+$0x0];
	_ =	sdelay $0x4  }
0x2c1: {  	[tilespmem:s11+$0x0] =	vst v2  }
0x2c2: {  	v2 =	vld [tilespmem:s0+$0x10];
	_ =	sdelay $0x4  }
0x2c3: {  	[tilespmem:s11+$0x10] =	vst v2  }
0x2c4: {  	v2 =	vld [tilespmem:s4+$0x0];
	_ =	sdelay $0x1  }
0x2c5: {  	s23 =	simm.s32 $0x2  }
0x2c6: {  	v3 =	vmov s23  }
0x2c7: {  	v3 =	vadd.s32 $0x100, v3  }
0x2c8: {  	[tilespmem:s11+$0x20] =	vst v2;
	v2 =	vand.u32 $0xFFFFFFFE, v3  }
0x2c9: {  	v3 =	vld [tilespmem:s4+$0x10];
	v2 =	vbroadcast v2, $0x0;
	_ =	sdelay $0x4  }
0x2ca: {  	[tilespmem:s11+$0x30] =	vst v3  }
0x2cb: {  	v2 =	vld.idx.msk [tilespmem:v2+s30+$0x0], $0xffff;
	_ =	sdelay $0x4  }
0x2cc: {  	v2 =	vmul.f32 v2, v0;
	_ =	sdelay $0x1  }
0x2cd: {  	v2 =	vadd.f32 v2, v1;
	_ =	sdelay $0x1  }
0x2ce: {  	[tilespmem:s11+$0x40] =	vst v2  }
0x2cf: {  	v2 =	vld [tilespmem:s0+$0x80];
	_ =	sdelay $0x4  }
0x2d0: {  	[tilespmem:s11+$0x80] =	vst v2  }
0x2d1: {  	v2 =	vld [tilespmem:s0+$0x90];
	_ =	sdelay $0x4  }
0x2d2: {  	[tilespmem:s11+$0x90] =	vst v2  }
0x2d3: {  	v2 =	vld [tilespmem:s4+$0x80];
	_ =	sdelay $0x2  }
0x2d4: {  	s24 =	simm.s32 $0x3  }
0x2d5: {  	v3 =	vmov s24  }
0x2d6: {  	[tilespmem:s11+$0xA0] =	vst v2;
	v2 =	vadd.s32 $0x100, v3  }
0x2d7: {  	v3 =	vld [tilespmem:s4+$0x90];
	v2 =	vbroadcast v2, $0x0;
	_ =	sdelay $0x4  }
0x2d8: {  	[tilespmem:s11+$0xB0] =	vst v3  }
0x2d9: {  	v2 =	vld.idx.msk [tilespmem:v2+s30+$0x0], $0xffff;
	_ =	sdelay $0x4  }
0x2da: {  	v2 =	vmul.f32 v2, v0;
	_ =	sdelay $0x1  }
0x2db: {  	v2 =	vadd.f32 v2, v1;
	_ =	sdelay $0x1  }
0x2dc: {  	s0 =	simm.s32 $0xC900;
	[tilespmem:s11+$0xC0] =	vst v2  }
0x2dd: {  	s8 =	simm.s32 $0x8;
	s23 =	simm.s32 $0x4;
	v2 =	vld [tilespmem:s0+$0xFFFFFF00]  }
.LBB2_9:
0x2de: {  	p1 =	slt.u32 s8, $0x7C;
	_ =	sdelay $0x2  }
0x2df: {  	s11 =	sadd.s32 $0x200, s11  }
0x2e0: {  	[tilespmem:s11+$0xFFFFFF00] =	vst v2  }
0x2e1: {  	v2 =	vld [tilespmem:s0+$0xFFFFFF10];
	_ =	sdelay $0x4  }
0x2e2: {  	s4 =	sadd.s32 $0x200, s4;
	[tilespmem:s11+$0xFFFFFF10] =	vst v2  }
0x2e3: {  	v2 =	vld [tilespmem:s4+$0xFFFFFF00];
	_ =	sdelay $0x2  }
0x2e4: {  	v3 =	vmov s23  }
0x2e5: {  	v3 =	vadd.s32 $0x100, v3  }
0x2e6: {  	[tilespmem:s11+$0xFFFFFF20] =	vst v2;
	v2 =	vand.u32 $0xFFFFFFFC, v3  }
0x2e7: {  	v3 =	vld [tilespmem:s4+$0xFFFFFF10];
	v2 =	vbroadcast v2, $0x0;
	_ =	sdelay $0x4  }
0x2e8: {  	[tilespmem:s11+$0xFFFFFF30] =	vst v3  }
0x2e9: {  	v2 =	vld.idx.msk [tilespmem:v2+s30+$0x0], $0xffff;
	_ =	sdelay $0x5  }
0x2ea: {  	v2 =	vmul.f32 v2, v0;
	_ =	sdelay $0x1  }
0x2eb: {  	v2 =	vadd.f32 v2, v1;
	_ =	sdelay $0x1  }
0x2ec: {  	[tilespmem:s11+$0xFFFFFF40] =	vst v2  }
0x2ed: {  	v2 =	vld [tilespmem:s0+$0xFFFFFF80];
	_ =	sdelay $0x4  }
0x2ee: {  	[tilespmem:s11+$0xFFFFFF80] =	vst v2  }
0x2ef: {  	v2 =	vld [tilespmem:s0+$0xFFFFFF90];
	_ =	sdelay $0x4  }
0x2f0: {  	[tilespmem:s11+$0xFFFFFF90] =	vst v2  }
0x2f1: {  	v2 =	vld [tilespmem:s4+$0xFFFFFF80];
	_ =	sdelay $0x1  }
0x2f2: {  	s10 =	sadd.s32 $0x1, s23  }
0x2f3: {  	v3 =	vmov s10  }
0x2f4: {  	v3 =	vadd.s32 $0x100, v3  }
0x2f5: {  	[tilespmem:s11+$0xFFFFFFA0] =	vst v2;
	v2 =	vand.u32 $0xFFFFFFFD, v3  }
0x2f6: {  	v3 =	vld [tilespmem:s4+$0xFFFFFF90];
	v2 =	vbroadcast v2, $0x0;
	_ =	sdelay $0x4  }
0x2f7: {  	[tilespmem:s11+$0xFFFFFFB0] =	vst v3  }
0x2f8: {  	v2 =	vld.idx.msk [tilespmem:v2+s30+$0x0], $0xffff;
	_ =	sdelay $0x5  }
0x2f9: {  	v2 =	vmul.f32 v2, v0;
	_ =	sdelay $0x1  }
0x2fa: {  	v2 =	vadd.f32 v2, v1;
	_ =	sdelay $0x1  }
0x2fb: {  	[tilespmem:s11+$0xFFFFFFC0] =	vst v2  }
0x2fc: {  	v2 =	vld [tilespmem:s0+$0x0];
	_ =	sdelay $0x4  }
0x2fd: {  	[tilespmem:s11+$0x0] =	vst v2  }
0x2fe: {  	v2 =	vld [tilespmem:s0+$0x10];
	_ =	sdelay $0x4  }
0x2ff: {  	[tilespmem:s11+$0x10] =	vst v2  }
0x300: {  	v2 =	vld [tilespmem:s4+$0x0];
	_ =	sdelay $0x1  }
0x301: {  	s10 =	sadd.s32 $0x2, s23  }
0x302: {  	v3 =	vmov s10  }
0x303: {  	v3 =	vadd.s32 $0x100, v3  }
0x304: {  	[tilespmem:s11+$0x20] =	vst v2;
	v2 =	vand.u32 $0xFFFFFFFE, v3  }
0x305: {  	v3 =	vld [tilespmem:s4+$0x10];
	v2 =	vbroadcast v2, $0x0;
	_ =	sdelay $0x4  }
0x306: {  	[tilespmem:s11+$0x30] =	vst v3  }
0x307: {  	v2 =	vld.idx.msk [tilespmem:v2+s30+$0x0], $0xffff;
	_ =	sdelay $0x5  }
0x308: {  	v2 =	vmul.f32 v2, v0;
	_ =	sdelay $0x1  }
0x309: {  	v2 =	vadd.f32 v2, v1;
	_ =	sdelay $0x1  }
0x30a: {  	[tilespmem:s11+$0x40] =	vst v2  }
0x30b: {  	v2 =	vld [tilespmem:s0+$0x80];
	_ =	sdelay $0x4  }
0x30c: {  	[tilespmem:s11+$0x80] =	vst v2  }
0x30d: {  	v2 =	vld [tilespmem:s0+$0x90];
	_ =	sdelay $0x4  }
0x30e: {  	[tilespmem:s11+$0x90] =	vst v2  }
0x30f: {  	v2 =	vld [tilespmem:s4+$0x80];
	_ =	sdelay $0x2  }
0x310: {  	s10 =	sadd.s32 $0x3, s23;
	s23 =	smov.u32 s8  }
0x311: {  	v3 =	vmov s10  }
0x312: {  	[tilespmem:s11+$0xA0] =	vst v2;
	v2 =	vadd.s32 $0x100, v3  }
0x313: {  	v3 =	vld [tilespmem:s4+$0x90];
	v2 =	vbroadcast v2, $0x0;
	_ =	sdelay $0x4  }
0x314: {  	[tilespmem:s11+$0xB0] =	vst v3  }
0x315: {  	v2 =	vld.idx.msk [tilespmem:v2+s30+$0x0], $0xffff;
	_ =	sdelay $0x5  }
0x316: {  	v2 =	vmul.f32 v2, v0  }
.Ltmp5:
0x317: {  	(pc) =	sbr.rel @p1 .LBB2_9-.Ltmp5, $3  }
0x318: {  	v2 =	vadd.f32 v2, v1;
	_ =	sdelay $0x1  }
0x319: {  	s0 =	sadd.s32 $0x200, s0;
	[tilespmem:s11+$0xC0] =	vst v2  }
0x31a: {  	s8 =	sadd.s32 $0x4, s8;
	v2 =	vld [tilespmem:s0+$0xFFFFFF00]  }
0x31b: {  	_ =	sdelay $0x2  }
0x31c: {  	s8 =	sadd.s32 $0x200, s11  }
0x31d: {  	[tilespmem:s8+$0xFFFFFF00] =	vst v2  }
0x31e: {  	v2 =	vld [tilespmem:s0+$0xFFFFFF10];
	_ =	sdelay $0x4  }
0x31f: {  	s4 =	sadd.s32 $0x200, s4;
	[tilespmem:s8+$0xFFFFFF10] =	vst v2  }
0x320: {  	v2 =	vld [tilespmem:s4+$0xFFFFFF00];
	_ =	sdelay $0x2  }
0x321: {  	v3 =	vmov s23  }
0x322: {  	v3 =	vadd.s32 $0x100, v3  }
0x323: {  	[tilespmem:s8+$0xFFFFFF20] =	vst v2;
	v2 =	vand.u32 $0xFFFFFFFC, v3  }
0x324: {  	v3 =	vld [tilespmem:s4+$0xFFFFFF10];
	v2 =	vbroadcast v2, $0x0;
	_ =	sdelay $0x4  }
0x325: {  	[tilespmem:s8+$0xFFFFFF30] =	vst v3  }
0x326: {  	v2 =	vld.idx.msk [tilespmem:v2+s30+$0x0], $0xffff;
	_ =	sdelay $0x4  }
0x327: {  	v2 =	vmul.f32 v2, v0;
	_ =	sdelay $0x1  }
0x328: {  	v2 =	vadd.f32 v2, v1;
	_ =	sdelay $0x1  }
0x329: {  	[tilespmem:s8+$0xFFFFFF40] =	vst v2  }
0x32a: {  	v2 =	vld [tilespmem:s0+$0xFFFFFF80];
	_ =	sdelay $0x4  }
0x32b: {  	[tilespmem:s8+$0xFFFFFF80] =	vst v2  }
0x32c: {  	v2 =	vld [tilespmem:s0+$0xFFFFFF90];
	_ =	sdelay $0x4  }
0x32d: {  	[tilespmem:s8+$0xFFFFFF90] =	vst v2  }
0x32e: {  	v2 =	vld [tilespmem:s4+$0xFFFFFF80];
	_ =	sdelay $0x1  }
0x32f: {  	s10 =	sadd.s32 $0x1, s23  }
0x330: {  	v3 =	vmov s10  }
0x331: {  	v3 =	vadd.s32 $0x100, v3  }
0x332: {  	[tilespmem:s8+$0xFFFFFFA0] =	vst v2;
	v2 =	vand.u32 $0xFFFFFFFD, v3  }
0x333: {  	v3 =	vld [tilespmem:s4+$0xFFFFFF90];
	v2 =	vbroadcast v2, $0x0;
	_ =	sdelay $0x4  }
0x334: {  	[tilespmem:s8+$0xFFFFFFB0] =	vst v3  }
0x335: {  	v2 =	vld.idx.msk [tilespmem:v2+s30+$0x0], $0xffff;
	_ =	sdelay $0x4  }
0x336: {  	v2 =	vmul.f32 v2, v0;
	_ =	sdelay $0x1  }
0x337: {  	v2 =	vadd.f32 v2, v1;
	_ =	sdelay $0x1  }
0x338: {  	[tilespmem:s8+$0xFFFFFFC0] =	vst v2  }
0x339: {  	v2 =	vld [tilespmem:s0+$0x0];
	_ =	sdelay $0x4  }
0x33a: {  	[tilespmem:s8+$0x0] =	vst v2  }
0x33b: {  	v2 =	vld [tilespmem:s0+$0x10];
	_ =	sdelay $0x4  }
0x33c: {  	[tilespmem:s8+$0x10] =	vst v2  }
0x33d: {  	v2 =	vld [tilespmem:s4+$0x0];
	_ =	sdelay $0x1  }
0x33e: {  	s11 =	sadd.s32 $0x2, s23  }
0x33f: {  	v3 =	vmov s11  }
0x340: {  	v3 =	vadd.s32 $0x100, v3  }
0x341: {  	[tilespmem:s8+$0x20] =	vst v2;
	v2 =	vand.u32 $0xFFFFFFFE, v3  }
0x342: {  	v3 =	vld [tilespmem:s4+$0x10];
	v2 =	vbroadcast v2, $0x0;
	_ =	sdelay $0x4  }
0x343: {  	[tilespmem:s8+$0x30] =	vst v3  }
0x344: {  	v2 =	vld.idx.msk [tilespmem:v2+s30+$0x0], $0xffff;
	_ =	sdelay $0x4  }
0x345: {  	v2 =	vmul.f32 v2, v0;
	_ =	sdelay $0x1  }
0x346: {  	v2 =	vadd.f32 v2, v1;
	_ =	sdelay $0x1  }
0x347: {  	[tilespmem:s8+$0x40] =	vst v2  }
0x348: {  	v2 =	vld [tilespmem:s0+$0x80];
	_ =	sdelay $0x4  }
0x349: {  	[tilespmem:s8+$0x80] =	vst v2  }
0x34a: {  	v2 =	vld [tilespmem:s0+$0x90];
	_ =	sdelay $0x4  }
0x34b: {  	[tilespmem:s8+$0x90] =	vst v2  }
0x34c: {  	v2 =	vld [tilespmem:s4+$0x80];
	_ =	sdelay $0x2  }
0x34d: {  	s24 =	sadd.s32 $0x3, s23  }
0x34e: {  	v3 =	vmov s24  }
0x34f: {  	[tilespmem:s8+$0xA0] =	vst v2;
	v2 =	vadd.s32 $0x100, v3  }
0x350: {  	v3 =	vld [tilespmem:s4+$0x90];
	v2 =	vbroadcast v2, $0x0;
	_ =	sdelay $0x4  }
0x351: {  	[tilespmem:s8+$0xB0] =	vst v3  }
0x352: {  	v2 =	vld.idx.msk [tilespmem:v2+s30+$0x0], $0xffff;
	_ =	sdelay $0x4  }
0x353: {  	v2 =	vmul.f32 v2, v0  }
.Ltmp6:
0x354: {  	_ = 	snop;
	(pc) =	sbr.rel @p0 .LBB2_12-.Ltmp6, $3  }
0x355: {  	v2 =	vadd.f32 v2, v1;
	_ =	sdelay $0x1  }
0x356: {  	s26 =	sadd.s32 s26, s16;
	[tilespmem:s8+$0xC0] =	vst v2  }
0x357: {  	[hbm4b:s26+s7] =	stream.linear.scatter [tilespmem:s18], [sflag:$0x8], $0x4000, $0x38;
	[tilespmem:$0x18700] =	vst v63  }
0x358: {  	s0 =	smul.u32 $0x180, s9;
	_ =	sdelay $0x1  }
0x359: {  	s4 =	rddreg [dreg:$0x0];
	s0 =	sshrl.u32 s0, $0x3  }
0x35a: {  	s0 =	sadd.s32 s4, s0  }
0x35b: {  	s0 =	sadd.s32 $0x150, s0  }
0x35c: {  	[tilespmem:s30], [sflag:$0x4] =	stream.linear.gather [hbm4b:s0+s7], $0x180, $0x38;
	[tilespmem:$0x18700] =	vst v63  }
0x35d: {  	_ =	swait.ge [sflag:s17], $0x180  }
.Ltmp7:
0x35e: {  	[sflag:s17] =	ssyncset.done $0x0;
	(pc) =	sbr.rel .LBB2_2-.Ltmp7, $4  }
0x35f: {  	[sflag:s17] =	ssyncadd.s32 $0xFFFFFE80  }
0x360: {  	[tilespmem:s25], [sflag:$0x6] =	stream.indirect.gather [hbm4b:s2+s22], $0x80, s21, s22, $0xb8;
	[tilespmem:$0x18700] =	vst v63  }
0x361: {  	s26 =	simm.s32 $0x200;
	s19 =	sadd.s32 $0x1, s19  }
0x362: {  	[tilespmem:s28], [sflag:$0x6] =	stream.indirect.gather [hbm4b:s3+s22], $0x80, s26, s22, $0xb8;
	[tilespmem:$0x18700] =	vst v63  }
.LBB2_13:
0x363: {  	_ =	sfence.sel $0x180000  }
0x364: {  	[bflag:$0x0] =	sbarrier.arrive $0xFFFF  }
0x365: {  	_ =	strace $0x90000047  }
0x366: {  	s0 =	stileid.u32;
	[bflag:$0x2] =	sbarrier.arrive $0xFFFF  }
0x367: {  	p0 =	sne.s32 s0, $0x0;
	s0 =	rddreg [dreg:$0x6]  }
0x368: {  	s0 =	sadd.s32 @!p0 $0x100000, s0  }
0x369: {  	[sflag:s0] =	ssyncadd.tile.s32 @!p0 $0x1;
	_ =	shalt  }
.Lfunc_end2:
_tile_overlayer_lowered:
.L_overlay_start_2:
0x36a: {  	(tag) =	ssettag $0x2  }
0x36b: {  	s0 =	rddreg [dreg:$0x0];
	s2 =	stileid.u32  }
0x36c: {  	s1 =	rddreg [dreg:$0x1];
	p0 =	sne.s32 s2, $0x0  }
0x36d: {  	s3 =	rddreg [dreg:$0x2];
	[bflag:$0x3] =	sbarrier.arrive $0xFFFF;
	s2 =	simm.s32 @!p0 $0x1C09  }
0x36e: {  	[timem:s3], [sflag:s2] =	dma.local @!p0 [hbm:s0], s1  }
0x36f: {  	s0 =	simm.s32 @!p0 $0x9  }
0x370: {  	_ =	swait.ge @!p0 [sflag:s0], s1  }
0x371: {  	s1 =	ssub.s32 @!p0 $0x0, s1;
	[sflag:s0] =	ssyncset.done @!p0 $0x0  }
0x372: {  	[sflag:s0] =	ssyncadd.s32 @!p0 s1  }
0x373: {  	[bflag:$0x3] =	sbarrier.arrive $0xFFFF  }
0x374: {  	_ =	shalt  }

</sc_bundles>
